<compile_context>
chip_gen: v7x
topology: tpu7x:2x2x1
jax: 0.10.2.dev20260603
libtpu: 0.0.44.dev20260713+nightly
codegen_flags: <defaults>
</compile_context>

<pallas_src>
import functools

import jax
import jax.numpy as jnp
from jax import lax
from jax.experimental import pallas as pl
from jax.experimental.pallas import tpu as pltpu
from jax.experimental.pallas import tpu_sc as plsc

D = 128
B, L = 16384, 50
N = B * L
NC, NS = 2, 16
NW = NC * NS
CH = 128
NG = N // (CH * NW)
PW = 2
NP = NG // PW
NPB = 3


def _emb_body(x_hbm, w_hbm, out_hbm, idx_v, rows_v,
              sg0, sg1, sg2, sw0, sw1, sw2):
    semg = (sg0, sg1, sg2)
    semw = (sw0, sw1, sw2)
    wid = lax.axis_index("s") * NC + lax.axis_index("c")
    gbase = wid * NG

    pltpu.sync_copy(x_hbm.at[pl.ds(gbase, NG)], idx_v)

    def fire_gp(p, b):
        for h in range(PW):
            pltpu.async_copy(
                w_hbm.at[idx_v.at[PW * p + h]], rows_v.at[b, h], semg[b])

    def wait_gp(p, b):
        for h in range(PW):
            pltpu.make_async_copy(
                w_hbm.at[idx_v.at[PW * p + h]], rows_v.at[b, h], semg[b]
            ).wait()

    def fire_w(p, b):
        pltpu.async_copy(
            rows_v.at[b], out_hbm.at[pl.ds(gbase + PW * p, PW)], semw[b])

    def wait_w(p, b):
        pltpu.make_async_copy(
            rows_v.at[b], out_hbm.at[pl.ds(gbase + PW * p, PW)], semw[b]
        ).wait()

    fire_gp(0, 0)
    wait_gp(0, 0); fire_w(0, 0); fire_gp(1, 1)
    wait_gp(1, 1); fire_w(1, 1); fire_gp(2, 2)

    INT = ((NP - 2 - 2) // NPB) * NPB

    @pl.loop(2, 2 + INT, step=NPB)
    def visit_loop(p0):
        for k in range(NPB):
            p = p0 + k
            b = (2 + k) % NPB
            bn = (b + 1) % NPB
            wait_gp(p, b)
            fire_w(p, b)
            wait_w(p - 2, bn)
            fire_gp(p + 1, bn)

    for p in range(2 + INT, NP):
        b = p % NPB
        bn = (b + 1) % NPB
        wait_gp(p, b)
        fire_w(p, b)
        wait_w(p - 2, bn)
        if p + 1 < NP:
            fire_gp(p + 1, bn)
    wait_w(NP - 2, (NP - 2) % NPB)
    wait_w(NP - 1, (NP - 1) % NPB)


@jax.jit
def _emb_lookup(xf, weight):
    mesh = plsc.VectorSubcoreMesh(core_axis_name="c", subcore_axis_name="s")
    run = pl.kernel(
        _emb_body,
        out_type=jax.ShapeDtypeStruct((NW * NG, CH, D), jnp.float32),
        mesh=mesh,
        scratch_types=[
            pltpu.VMEM((NG, CH), jnp.int32),
            pltpu.VMEM((NPB, PW, CH, D), jnp.float32),
        ] + [pltpu.SemaphoreType.DMA] * (2 * NPB),
        name="emb_gather",
    )
    return run(xf, weight)


def kernel(x, weight):
    xf = jnp.transpose(x).reshape(NW * NG, CH).astype(jnp.int32)
    out = _emb_lookup(xf, weight)
    return out.reshape(L, B, D).transpose(1, 0, 2)

# --- scband reference (transcript-rebuilt; emitter-appended) ---
"""Pipeline reference for scband-embedding-50611894616812 (READ-ONLY COPY).

The authoritative reference and input builder live on the scoring server;
editing this copy changes nothing except your own understanding.
"""

import jax, jax.numpy as jnp
import numpy as np

NUM_EMBEDDINGS = 100000
EMBEDDING_DIM = 128

def setup_inputs(seed: int = 0) -> dict:
    key = jax.random.key(seed)
    kx, kw = jax.random.split(key, 2)
    x = jax.random.randint(kx, (16384, 50), 0, NUM_EMBEDDINGS, dtype=jnp.int64 if jax.config.jax_enable_x64 else jnp.int32)
    # learned parameter: embedding table, init normal(stddev=0.02) as in default_init
    weight = jax.random.normal(kw, (NUM_EMBEDDINGS, EMBEDDING_DIM), dtype=jnp.float32) * 0.02
    return {"x": x, "weight": weight}

def reference(x, weight):
    # Original module: scalar-index lookup `weight[x]`, used under vmap over batch/seq dims.
    # Equivalent batched form: gather rows of the table.
    out = jnp.take(weight, x, axis=0)  # [B, L, D]
    return out.astype(jnp.float32)

if __name__ == "__main__":
    import jax
    _d = setup_inputs()
    print(jax.jit(kernel)(*tuple(_d.values())))

</pallas_src>

<mosaic_0001>
#map = affine_map<(d0, d1) -> (0, 0)>
#map1 = affine_map<(d0, d1) -> (0, 0, 0)>
module attributes {stable_mosaic.version = 14 : i64} {
  func.func @emb_gather(%arg0: i32, %arg1: i32, %arg2: memref<6400x128xi32, #tpu.memory_space<hbm>>, %arg3: memref<100000x128xf32, #tpu.memory_space<hbm>>, %arg4: memref<6400x128x128xf32, #tpu.memory_space<hbm>>, %arg5: memref<200x128xi32, #tpu.memory_space<vmem>>, %arg6: memref<3x2x128x128xf32, #tpu.memory_space<vmem>>, %arg7: memref<!tpu.dma_semaphore, #tpu.memory_space<semaphore_mem>>, %arg8: memref<!tpu.dma_semaphore, #tpu.memory_space<semaphore_mem>>, %arg9: memref<!tpu.dma_semaphore, #tpu.memory_space<semaphore_mem>>, %arg10: memref<!tpu.dma_semaphore, #tpu.memory_space<semaphore_mem>>, %arg11: memref<!tpu.dma_semaphore, #tpu.memory_space<semaphore_mem>>, %arg12: memref<!tpu.dma_semaphore, #tpu.memory_space<semaphore_mem>>) attributes {dimension_semantics = [#tpu.dimension_semantics<core_parallel>, #tpu.dimension_semantics<subcore_parallel>], iteration_bounds = array<i64: 2, 16>, scalar_prefetch = 0 : i64, scratch_operands = 8 : i64, tpu.core_type = #tpu.core_type<sc_vector_subcore>, window_params = [{transform_indices = #map}, {transform_indices = #map}, {transform_indices = #map1}]} {
    %mul3A = arith.constant 2 : i32
    %mul3A_0 = arith.muli %arg1, %mul3A : i32
    %add3A = arith.addi %mul3A_0, %arg0 : i32
    %mul3A_1 = arith.constant 200 : i32
    %mul3A_2 = arith.muli %add3A, %mul3A_1 : i32
    "tpu.region"() ({
      %run_scoped3A = tpu.sem_alloc : memref<!tpu.dma_semaphore, #tpu.memory_space<semaphore_mem>>
      %dma_start3A_365 = arith.constant 0 : i32
      %dma_start3A_366 = tpu.memref_slice %arg2[%mul3A_2, %dma_start3A_365] : memref<6400x128xi32, #tpu.memory_space<hbm>> -> memref<200x128xi32, #tpu.memory_space<hbm>>
      %dma_start3A_367 = arith.constant 0 : i32
      %dma_start3A_368 = tpu.memref_slice %arg2[%mul3A_2, %dma_start3A_367] : memref<6400x128xi32, #tpu.memory_space<hbm>> -> memref<200x128xi32, #tpu.memory_space<hbm>>
      tpu.enqueue_dma source(%dma_start3A_368 : memref<200x128xi32, #tpu.memory_space<hbm>>) target(%arg5 : memref<200x128xi32, #tpu.memory_space<vmem>>) target_semaphore(%run_scoped3A : memref<!tpu.dma_semaphore, #tpu.memory_space<semaphore_mem>>)
      %dma_wait3A_369 = arith.constant 0 : i32
      %dma_wait3A_370 = tpu.memref_slice %arg2[%mul3A_2, %dma_wait3A_369] : memref<6400x128xi32, #tpu.memory_space<hbm>> -> memref<200x128xi32, #tpu.memory_space<hbm>>
      %dma_wait3A_371 = arith.constant 0 : i32
      %dma_wait3A_372 = tpu.memref_slice %arg2[%mul3A_2, %dma_wait3A_371] : memref<6400x128xi32, #tpu.memory_space<hbm>> -> memref<200x128xi32, #tpu.memory_space<hbm>>
      tpu.wait_dma2 semaphore(%run_scoped3A : memref<!tpu.dma_semaphore, #tpu.memory_space<semaphore_mem>>) src(%dma_wait3A_372 : memref<200x128xi32, #tpu.memory_space<hbm>>) dst(%arg5 : memref<200x128xi32, #tpu.memory_space<vmem>>)
      tpu.yield
    }) : () -> ()
    %dma_start3A = arith.constant 0 : i32
    %dma_start3A_3 = arith.constant 0 : i32
    %dma_start3A_4 = arith.constant 0 : i32
    %dma_start3A_5 = arith.constant 0 : i32
    %dma_start3A_6 = arith.constant 0 : i32
    %dma_start3A_7 = tpu.memref_slice %arg6[%dma_start3A_3, %dma_start3A_4, %dma_start3A_5, %dma_start3A_6] : memref<3x2x128x128xf32, #tpu.memory_space<vmem>> -> memref<1x1x128x128xf32, #tpu.memory_space<vmem>>
    %dma_start3A_8 = tpu.memref_squeeze %dma_start3A_7 : memref<1x1x128x128xf32, #tpu.memory_space<vmem>> -> memref<128x128xf32, #tpu.memory_space<vmem>>
    %dma_start3A_9 = arith.constant 0 : i32
    %dma_start3A_10 = tpu.memref_slice %arg5[%dma_start3A, %dma_start3A_9] : memref<200x128xi32, #tpu.memory_space<vmem>> -> memref<1x128xi32, #tpu.memory_space<vmem>>
    %dma_start3A_11 = tpu.memref_squeeze %dma_start3A_10 : memref<1x128xi32, #tpu.memory_space<vmem>> -> memref<128xi32, #tpu.memory_space<vmem>>
    %dma_start3A_12 = arith.constant 0 : i32
    %dma_start3A_13 = arith.constant 0 : i32
    %dma_start3A_14 = tpu.memref_slice %arg3[%dma_start3A_12, %dma_start3A_13] : memref<100000x128xf32, #tpu.memory_space<hbm>> -> memref<100000x128xf32, #tpu.memory_space<hbm>>
    tpu.enqueue_indirect_dma source(%dma_start3A_14 : memref<100000x128xf32, #tpu.memory_space<hbm>>) target(%dma_start3A_8 : memref<128x128xf32, #tpu.memory_space<vmem>>) offsets(%dma_start3A_11 : memref<128xi32, #tpu.memory_space<vmem>>) semaphore(%arg7 : memref<!tpu.dma_semaphore, #tpu.memory_space<semaphore_mem>>)
    %dma_start3A_15 = arith.constant 1 : i32
    %dma_start3A_16 = arith.constant 0 : i32
    %dma_start3A_17 = arith.constant 1 : i32
    %dma_start3A_18 = arith.constant 0 : i32
    %dma_start3A_19 = arith.constant 0 : i32
    %dma_start3A_20 = tpu.memref_slice %arg6[%dma_start3A_16, %dma_start3A_17, %dma_start3A_18, %dma_start3A_19] : memref<3x2x128x128xf32, #tpu.memory_space<vmem>> -> memref<1x1x128x128xf32, #tpu.memory_space<vmem>>
    %dma_start3A_21 = tpu.memref_squeeze %dma_start3A_20 : memref<1x1x128x128xf32, #tpu.memory_space<vmem>> -> memref<128x128xf32, #tpu.memory_space<vmem>>
    %dma_start3A_22 = arith.constant 0 : i32
    %dma_start3A_23 = tpu.memref_slice %arg5[%dma_start3A_15, %dma_start3A_22] : memref<200x128xi32, #tpu.memory_space<vmem>> -> memref<1x128xi32, #tpu.memory_space<vmem>>
    %dma_start3A_24 = tpu.memref_squeeze %dma_start3A_23 : memref<1x128xi32, #tpu.memory_space<vmem>> -> memref<128xi32, #tpu.memory_space<vmem>>
    %dma_start3A_25 = arith.constant 0 : i32
    %dma_start3A_26 = arith.constant 0 : i32
    %dma_start3A_27 = tpu.memref_slice %arg3[%dma_start3A_25, %dma_start3A_26] : memref<100000x128xf32, #tpu.memory_space<hbm>> -> memref<100000x128xf32, #tpu.memory_space<hbm>>
    tpu.enqueue_indirect_dma source(%dma_start3A_27 : memref<100000x128xf32, #tpu.memory_space<hbm>>) target(%dma_start3A_21 : memref<128x128xf32, #tpu.memory_space<vmem>>) offsets(%dma_start3A_24 : memref<128xi32, #tpu.memory_space<vmem>>) semaphore(%arg7 : memref<!tpu.dma_semaphore, #tpu.memory_space<semaphore_mem>>)
    %dma_wait3A = arith.constant 0 : i32
    %dma_wait3A_28 = arith.constant 0 : i32
    %dma_wait3A_29 = arith.constant 0 : i32
    %dma_wait3A_30 = arith.constant 0 : i32
    %dma_wait3A_31 = arith.constant 0 : i32
    %dma_wait3A_32 = tpu.memref_slice %arg6[%dma_wait3A_28, %dma_wait3A_29, %dma_wait3A_30, %dma_wait3A_31] : memref<3x2x128x128xf32, #tpu.memory_space<vmem>> -> memref<1x1x128x128xf32, #tpu.memory_space<vmem>>
    %dma_wait3A_33 = tpu.memref_squeeze %dma_wait3A_32 : memref<1x1x128x128xf32, #tpu.memory_space<vmem>> -> memref<128x128xf32, #tpu.memory_space<vmem>>
    %dma_wait3A_34 = arith.constant 0 : i32
    %dma_wait3A_35 = tpu.memref_slice %arg5[%dma_wait3A, %dma_wait3A_34] : memref<200x128xi32, #tpu.memory_space<vmem>> -> memref<1x128xi32, #tpu.memory_space<vmem>>
    %dma_wait3A_36 = tpu.memref_squeeze %dma_wait3A_35 : memref<1x128xi32, #tpu.memory_space<vmem>> -> memref<128xi32, #tpu.memory_space<vmem>>
    %dma_wait3A_37 = arith.constant 0 : i32
    %dma_wait3A_38 = arith.constant 0 : i32
    %dma_wait3A_39 = tpu.memref_slice %arg3[%dma_wait3A_37, %dma_wait3A_38] : memref<100000x128xf32, #tpu.memory_space<hbm>> -> memref<100000x128xf32, #tpu.memory_space<hbm>>
    tpu.wait_indirect_dma semaphore(%arg7 : memref<!tpu.dma_semaphore, #tpu.memory_space<semaphore_mem>>) src(%dma_wait3A_39 : memref<100000x128xf32, #tpu.memory_space<hbm>>) dst(%dma_wait3A_33 : memref<128x128xf32, #tpu.memory_space<vmem>>)
    %dma_wait3A_40 = arith.constant 1 : i32
    %dma_wait3A_41 = arith.constant 0 : i32
    %dma_wait3A_42 = arith.constant 1 : i32
    %dma_wait3A_43 = arith.constant 0 : i32
    %dma_wait3A_44 = arith.constant 0 : i32
    %dma_wait3A_45 = tpu.memref_slice %arg6[%dma_wait3A_41, %dma_wait3A_42, %dma_wait3A_43, %dma_wait3A_44] : memref<3x2x128x128xf32, #tpu.memory_space<vmem>> -> memref<1x1x128x128xf32, #tpu.memory_space<vmem>>
    %dma_wait3A_46 = tpu.memref_squeeze %dma_wait3A_45 : memref<1x1x128x128xf32, #tpu.memory_space<vmem>> -> memref<128x128xf32, #tpu.memory_space<vmem>>
    %dma_wait3A_47 = arith.constant 0 : i32
    %dma_wait3A_48 = tpu.memref_slice %arg5[%dma_wait3A_40, %dma_wait3A_47] : memref<200x128xi32, #tpu.memory_space<vmem>> -> memref<1x128xi32, #tpu.memory_space<vmem>>
    %dma_wait3A_49 = tpu.memref_squeeze %dma_wait3A_48 : memref<1x128xi32, #tpu.memory_space<vmem>> -> memref<128xi32, #tpu.memory_space<vmem>>
    %dma_wait3A_50 = arith.constant 0 : i32
    %dma_wait3A_51 = arith.constant 0 : i32
    %dma_wait3A_52 = tpu.memref_slice %arg3[%dma_wait3A_50, %dma_wait3A_51] : memref<100000x128xf32, #tpu.memory_space<hbm>> -> memref<100000x128xf32, #tpu.memory_space<hbm>>
    tpu.wait_indirect_dma semaphore(%arg7 : memref<!tpu.dma_semaphore, #tpu.memory_space<semaphore_mem>>) src(%dma_wait3A_52 : memref<100000x128xf32, #tpu.memory_space<hbm>>) dst(%dma_wait3A_46 : memref<128x128xf32, #tpu.memory_space<vmem>>)
    %add3A_53 = arith.constant 0 : i32
    %add3A_54 = arith.addi %mul3A_2, %add3A_53 : i32
    %dma_start3A_55 = arith.constant 0 : i32
    %dma_start3A_56 = arith.constant 0 : i32
    %dma_start3A_57 = arith.constant 0 : i32
    %dma_start3A_58 = arith.constant 0 : i32
    %dma_start3A_59 = tpu.memref_slice %arg6[%dma_start3A_55, %dma_start3A_56, %dma_start3A_57, %dma_start3A_58] : memref<3x2x128x128xf32, #tpu.memory_space<vmem>> -> memref<1x2x128x128xf32, #tpu.memory_space<vmem>>
    %dma_start3A_60 = tpu.memref_squeeze %dma_start3A_59 : memref<1x2x128x128xf32, #tpu.memory_space<vmem>> -> memref<2x128x128xf32, #tpu.memory_space<vmem>>
    %dma_start3A_61 = arith.constant 0 : i32
    %dma_start3A_62 = arith.constant 0 : i32
    %dma_start3A_63 = tpu.memref_slice %arg4[%add3A_54, %dma_start3A_61, %dma_start3A_62] : memref<6400x128x128xf32, #tpu.memory_space<hbm>> -> memref<2x128x128xf32, #tpu.memory_space<hbm>>
    %dma_start3A_64 = arith.constant 0 : i32
    %dma_start3A_65 = arith.constant 0 : i32
    %dma_start3A_66 = tpu.memref_slice %arg4[%add3A_54, %dma_start3A_64, %dma_start3A_65] : memref<6400x128x128xf32, #tpu.memory_space<hbm>> -> memref<2x128x128xf32, #tpu.memory_space<hbm>>
    %dma_start3A_67 = arith.constant 0 : i32
    %dma_start3A_68 = arith.constant 0 : i32
    %dma_start3A_69 = arith.constant 0 : i32
    %dma_start3A_70 = tpu.memref_slice %arg6[%dma_start3A_55, %dma_start3A_67, %dma_start3A_68, %dma_start3A_69] : memref<3x2x128x128xf32, #tpu.memory_space<vmem>> -> memref<1x2x128x128xf32, #tpu.memory_space<vmem>>
    %dma_start3A_71 = tpu.memref_squeeze %dma_start3A_70 : memref<1x2x128x128xf32, #tpu.memory_space<vmem>> -> memref<2x128x128xf32, #tpu.memory_space<vmem>>
    tpu.enqueue_dma source(%dma_start3A_71 : memref<2x128x128xf32, #tpu.memory_space<vmem>>) target(%dma_start3A_66 : memref<2x128x128xf32, #tpu.memory_space<hbm>>) target_semaphore(%arg10 : memref<!tpu.dma_semaphore, #tpu.memory_space<semaphore_mem>>)
    %dma_start3A_72 = arith.constant 2 : i32
    %dma_start3A_73 = arith.constant 1 : i32
    %dma_start3A_74 = arith.constant 0 : i32
    %dma_start3A_75 = arith.constant 0 : i32
    %dma_start3A_76 = arith.constant 0 : i32
    %dma_start3A_77 = tpu.memref_slice %arg6[%dma_start3A_73, %dma_start3A_74, %dma_start3A_75, %dma_start3A_76] : memref<3x2x128x128xf32, #tpu.memory_space<vmem>> -> memref<1x1x128x128xf32, #tpu.memory_space<vmem>>
    %dma_start3A_78 = tpu.memref_squeeze %dma_start3A_77 : memref<1x1x128x128xf32, #tpu.memory_space<vmem>> -> memref<128x128xf32, #tpu.memory_space<vmem>>
    %dma_start3A_79 = arith.constant 0 : i32
    %dma_start3A_80 = tpu.memref_slice %arg5[%dma_start3A_72, %dma_start3A_79] : memref<200x128xi32, #tpu.memory_space<vmem>> -> memref<1x128xi32, #tpu.memory_space<vmem>>
    %dma_start3A_81 = tpu.memref_squeeze %dma_start3A_80 : memref<1x128xi32, #tpu.memory_space<vmem>> -> memref<128xi32, #tpu.memory_space<vmem>>
    %dma_start3A_82 = arith.constant 0 : i32
    %dma_start3A_83 = arith.constant 0 : i32
    %dma_start3A_84 = tpu.memref_slice %arg3[%dma_start3A_82, %dma_start3A_83] : memref<100000x128xf32, #tpu.memory_space<hbm>> -> memref<100000x128xf32, #tpu.memory_space<hbm>>
    tpu.enqueue_indirect_dma source(%dma_start3A_84 : memref<100000x128xf32, #tpu.memory_space<hbm>>) target(%dma_start3A_78 : memref<128x128xf32, #tpu.memory_space<vmem>>) offsets(%dma_start3A_81 : memref<128xi32, #tpu.memory_space<vmem>>) semaphore(%arg8 : memref<!tpu.dma_semaphore, #tpu.memory_space<semaphore_mem>>)
    %dma_start3A_85 = arith.constant 3 : i32
    %dma_start3A_86 = arith.constant 1 : i32
    %dma_start3A_87 = arith.constant 1 : i32
    %dma_start3A_88 = arith.constant 0 : i32
    %dma_start3A_89 = arith.constant 0 : i32
    %dma_start3A_90 = tpu.memref_slice %arg6[%dma_start3A_86, %dma_start3A_87, %dma_start3A_88, %dma_start3A_89] : memref<3x2x128x128xf32, #tpu.memory_space<vmem>> -> memref<1x1x128x128xf32, #tpu.memory_space<vmem>>
    %dma_start3A_91 = tpu.memref_squeeze %dma_start3A_90 : memref<1x1x128x128xf32, #tpu.memory_space<vmem>> -> memref<128x128xf32, #tpu.memory_space<vmem>>
    %dma_start3A_92 = arith.constant 0 : i32
    %dma_start3A_93 = tpu.memref_slice %arg5[%dma_start3A_85, %dma_start3A_92] : memref<200x128xi32, #tpu.memory_space<vmem>> -> memref<1x128xi32, #tpu.memory_space<vmem>>
    %dma_start3A_94 = tpu.memref_squeeze %dma_start3A_93 : memref<1x128xi32, #tpu.memory_space<vmem>> -> memref<128xi32, #tpu.memory_space<vmem>>
    %dma_start3A_95 = arith.constant 0 : i32
    %dma_start3A_96 = arith.constant 0 : i32
    %dma_start3A_97 = tpu.memref_slice %arg3[%dma_start3A_95, %dma_start3A_96] : memref<100000x128xf32, #tpu.memory_space<hbm>> -> memref<100000x128xf32, #tpu.memory_space<hbm>>
    tpu.enqueue_indirect_dma source(%dma_start3A_97 : memref<100000x128xf32, #tpu.memory_space<hbm>>) target(%dma_start3A_91 : memref<128x128xf32, #tpu.memory_space<vmem>>) offsets(%dma_start3A_94 : memref<128xi32, #tpu.memory_space<vmem>>) semaphore(%arg8 : memref<!tpu.dma_semaphore, #tpu.memory_space<semaphore_mem>>)
    %dma_wait3A_98 = arith.constant 2 : i32
    %dma_wait3A_99 = arith.constant 1 : i32
    %dma_wait3A_100 = arith.constant 0 : i32
    %dma_wait3A_101 = arith.constant 0 : i32
    %dma_wait3A_102 = arith.constant 0 : i32
    %dma_wait3A_103 = tpu.memref_slice %arg6[%dma_wait3A_99, %dma_wait3A_100, %dma_wait3A_101, %dma_wait3A_102] : memref<3x2x128x128xf32, #tpu.memory_space<vmem>> -> memref<1x1x128x128xf32, #tpu.memory_space<vmem>>
    %dma_wait3A_104 = tpu.memref_squeeze %dma_wait3A_103 : memref<1x1x128x128xf32, #tpu.memory_space<vmem>> -> memref<128x128xf32, #tpu.memory_space<vmem>>
    %dma_wait3A_105 = arith.constant 0 : i32
    %dma_wait3A_106 = tpu.memref_slice %arg5[%dma_wait3A_98, %dma_wait3A_105] : memref<200x128xi32, #tpu.memory_space<vmem>> -> memref<1x128xi32, #tpu.memory_space<vmem>>
    %dma_wait3A_107 = tpu.memref_squeeze %dma_wait3A_106 : memref<1x128xi32, #tpu.memory_space<vmem>> -> memref<128xi32, #tpu.memory_space<vmem>>
    %dma_wait3A_108 = arith.constant 0 : i32
    %dma_wait3A_109 = arith.constant 0 : i32
    %dma_wait3A_110 = tpu.memref_slice %arg3[%dma_wait3A_108, %dma_wait3A_109] : memref<100000x128xf32, #tpu.memory_space<hbm>> -> memref<100000x128xf32, #tpu.memory_space<hbm>>
    tpu.wait_indirect_dma semaphore(%arg8 : memref<!tpu.dma_semaphore, #tpu.memory_space<semaphore_mem>>) src(%dma_wait3A_110 : memref<100000x128xf32, #tpu.memory_space<hbm>>) dst(%dma_wait3A_104 : memref<128x128xf32, #tpu.memory_space<vmem>>)
    %dma_wait3A_111 = arith.constant 3 : i32
    %dma_wait3A_112 = arith.constant 1 : i32
    %dma_wait3A_113 = arith.constant 1 : i32
    %dma_wait3A_114 = arith.constant 0 : i32
    %dma_wait3A_115 = arith.constant 0 : i32
    %dma_wait3A_116 = tpu.memref_slice %arg6[%dma_wait3A_112, %dma_wait3A_113, %dma_wait3A_114, %dma_wait3A_115] : memref<3x2x128x128xf32, #tpu.memory_space<vmem>> -> memref<1x1x128x128xf32, #tpu.memory_space<vmem>>
    %dma_wait3A_117 = tpu.memref_squeeze %dma_wait3A_116 : memref<1x1x128x128xf32, #tpu.memory_space<vmem>> -> memref<128x128xf32, #tpu.memory_space<vmem>>
    %dma_wait3A_118 = arith.constant 0 : i32
    %dma_wait3A_119 = tpu.memref_slice %arg5[%dma_wait3A_111, %dma_wait3A_118] : memref<200x128xi32, #tpu.memory_space<vmem>> -> memref<1x128xi32, #tpu.memory_space<vmem>>
    %dma_wait3A_120 = tpu.memref_squeeze %dma_wait3A_119 : memref<1x128xi32, #tpu.memory_space<vmem>> -> memref<128xi32, #tpu.memory_space<vmem>>
    %dma_wait3A_121 = arith.constant 0 : i32
    %dma_wait3A_122 = arith.constant 0 : i32
    %dma_wait3A_123 = tpu.memref_slice %arg3[%dma_wait3A_121, %dma_wait3A_122] : memref<100000x128xf32, #tpu.memory_space<hbm>> -> memref<100000x128xf32, #tpu.memory_space<hbm>>
    tpu.wait_indirect_dma semaphore(%arg8 : memref<!tpu.dma_semaphore, #tpu.memory_space<semaphore_mem>>) src(%dma_wait3A_123 : memref<100000x128xf32, #tpu.memory_space<hbm>>) dst(%dma_wait3A_117 : memref<128x128xf32, #tpu.memory_space<vmem>>)
    %add3A_124 = arith.constant 2 : i32
    %add3A_125 = arith.addi %mul3A_2, %add3A_124 : i32
    %dma_start3A_126 = arith.constant 1 : i32
    %dma_start3A_127 = arith.constant 0 : i32
    %dma_start3A_128 = arith.constant 0 : i32
    %dma_start3A_129 = arith.constant 0 : i32
    %dma_start3A_130 = tpu.memref_slice %arg6[%dma_start3A_126, %dma_start3A_127, %dma_start3A_128, %dma_start3A_129] : memref<3x2x128x128xf32, #tpu.memory_space<vmem>> -> memref<1x2x128x128xf32, #tpu.memory_space<vmem>>
    %dma_start3A_131 = tpu.memref_squeeze %dma_start3A_130 : memref<1x2x128x128xf32, #tpu.memory_space<vmem>> -> memref<2x128x128xf32, #tpu.memory_space<vmem>>
    %dma_start3A_132 = arith.constant 0 : i32
    %dma_start3A_133 = arith.constant 0 : i32
    %dma_start3A_134 = tpu.memref_slice %arg4[%add3A_125, %dma_start3A_132, %dma_start3A_133] : memref<6400x128x128xf32, #tpu.memory_space<hbm>> -> memref<2x128x128xf32, #tpu.memory_space<hbm>>
    %dma_start3A_135 = arith.constant 0 : i32
    %dma_start3A_136 = arith.constant 0 : i32
    %dma_start3A_137 = tpu.memref_slice %arg4[%add3A_125, %dma_start3A_135, %dma_start3A_136] : memref<6400x128x128xf32, #tpu.memory_space<hbm>> -> memref<2x128x128xf32, #tpu.memory_space<hbm>>
    %dma_start3A_138 = arith.constant 0 : i32
    %dma_start3A_139 = arith.constant 0 : i32
    %dma_start3A_140 = arith.constant 0 : i32
    %dma_start3A_141 = tpu.memref_slice %arg6[%dma_start3A_126, %dma_start3A_138, %dma_start3A_139, %dma_start3A_140] : memref<3x2x128x128xf32, #tpu.memory_space<vmem>> -> memref<1x2x128x128xf32, #tpu.memory_space<vmem>>
    %dma_start3A_142 = tpu.memref_squeeze %dma_start3A_141 : memref<1x2x128x128xf32, #tpu.memory_space<vmem>> -> memref<2x128x128xf32, #tpu.memory_space<vmem>>
    tpu.enqueue_dma source(%dma_start3A_142 : memref<2x128x128xf32, #tpu.memory_space<vmem>>) target(%dma_start3A_137 : memref<2x128x128xf32, #tpu.memory_space<hbm>>) target_semaphore(%arg11 : memref<!tpu.dma_semaphore, #tpu.memory_space<semaphore_mem>>)
    %dma_start3A_143 = arith.constant 4 : i32
    %dma_start3A_144 = arith.constant 2 : i32
    %dma_start3A_145 = arith.constant 0 : i32
    %dma_start3A_146 = arith.constant 0 : i32
    %dma_start3A_147 = arith.constant 0 : i32
    %dma_start3A_148 = tpu.memref_slice %arg6[%dma_start3A_144, %dma_start3A_145, %dma_start3A_146, %dma_start3A_147] : memref<3x2x128x128xf32, #tpu.memory_space<vmem>> -> memref<1x1x128x128xf32, #tpu.memory_space<vmem>>
    %dma_start3A_149 = tpu.memref_squeeze %dma_start3A_148 : memref<1x1x128x128xf32, #tpu.memory_space<vmem>> -> memref<128x128xf32, #tpu.memory_space<vmem>>
    %dma_start3A_150 = arith.constant 0 : i32
    %dma_start3A_151 = tpu.memref_slice %arg5[%dma_start3A_143, %dma_start3A_150] : memref<200x128xi32, #tpu.memory_space<vmem>> -> memref<1x128xi32, #tpu.memory_space<vmem>>
    %dma_start3A_152 = tpu.memref_squeeze %dma_start3A_151 : memref<1x128xi32, #tpu.memory_space<vmem>> -> memref<128xi32, #tpu.memory_space<vmem>>
    %dma_start3A_153 = arith.constant 0 : i32
    %dma_start3A_154 = arith.constant 0 : i32
    %dma_start3A_155 = tpu.memref_slice %arg3[%dma_start3A_153, %dma_start3A_154] : memref<100000x128xf32, #tpu.memory_space<hbm>> -> memref<100000x128xf32, #tpu.memory_space<hbm>>
    tpu.enqueue_indirect_dma source(%dma_start3A_155 : memref<100000x128xf32, #tpu.memory_space<hbm>>) target(%dma_start3A_149 : memref<128x128xf32, #tpu.memory_space<vmem>>) offsets(%dma_start3A_152 : memref<128xi32, #tpu.memory_space<vmem>>) semaphore(%arg9 : memref<!tpu.dma_semaphore, #tpu.memory_space<semaphore_mem>>)
    %dma_start3A_156 = arith.constant 5 : i32
    %dma_start3A_157 = arith.constant 2 : i32
    %dma_start3A_158 = arith.constant 1 : i32
    %dma_start3A_159 = arith.constant 0 : i32
    %dma_start3A_160 = arith.constant 0 : i32
    %dma_start3A_161 = tpu.memref_slice %arg6[%dma_start3A_157, %dma_start3A_158, %dma_start3A_159, %dma_start3A_160] : memref<3x2x128x128xf32, #tpu.memory_space<vmem>> -> memref<1x1x128x128xf32, #tpu.memory_space<vmem>>
    %dma_start3A_162 = tpu.memref_squeeze %dma_start3A_161 : memref<1x1x128x128xf32, #tpu.memory_space<vmem>> -> memref<128x128xf32, #tpu.memory_space<vmem>>
    %dma_start3A_163 = arith.constant 0 : i32
    %dma_start3A_164 = tpu.memref_slice %arg5[%dma_start3A_156, %dma_start3A_163] : memref<200x128xi32, #tpu.memory_space<vmem>> -> memref<1x128xi32, #tpu.memory_space<vmem>>
    %dma_start3A_165 = tpu.memref_squeeze %dma_start3A_164 : memref<1x128xi32, #tpu.memory_space<vmem>> -> memref<128xi32, #tpu.memory_space<vmem>>
    %dma_start3A_166 = arith.constant 0 : i32
    %dma_start3A_167 = arith.constant 0 : i32
    %dma_start3A_168 = tpu.memref_slice %arg3[%dma_start3A_166, %dma_start3A_167] : memref<100000x128xf32, #tpu.memory_space<hbm>> -> memref<100000x128xf32, #tpu.memory_space<hbm>>
    tpu.enqueue_indirect_dma source(%dma_start3A_168 : memref<100000x128xf32, #tpu.memory_space<hbm>>) target(%dma_start3A_162 : memref<128x128xf32, #tpu.memory_space<vmem>>) offsets(%dma_start3A_165 : memref<128xi32, #tpu.memory_space<vmem>>) semaphore(%arg9 : memref<!tpu.dma_semaphore, #tpu.memory_space<semaphore_mem>>)
    %scan3A = arith.constant 0 : i32
    %scan3A_169 = arith.constant 32 : i32
    %scan3A_170 = arith.addi %scan3A, %scan3A_169 : i32
    %scan3A_171 = arith.constant 1 : i32
    scf.for %scan3A_365 = %scan3A to %scan3A_170 step %scan3A_171  : i32 {
      %mul3A_366 = arith.constant 3 : i32
      %mul3A_367 = arith.muli %scan3A_365, %mul3A_366 : i32
      %add3A_368 = arith.constant 2 : i32
      %add3A_369 = arith.addi %add3A_368, %mul3A_367 : i32
      %add3A_370 = arith.constant 0 : i32
      %add3A_371 = arith.addi %add3A_369, %add3A_370 : i32
      %mul3A_372 = arith.constant 2 : i32
      %mul3A_373 = arith.muli %mul3A_372, %add3A_371 : i32
      %add3A_374 = arith.constant 0 : i32
      %add3A_375 = arith.addi %mul3A_373, %add3A_374 : i32
      %dma_wait3A_376 = arith.constant 2 : i32
      %dma_wait3A_377 = arith.constant 0 : i32
      %dma_wait3A_378 = arith.constant 0 : i32
      %dma_wait3A_379 = arith.constant 0 : i32
      %dma_wait3A_380 = tpu.memref_slice %arg6[%dma_wait3A_376, %dma_wait3A_377, %dma_wait3A_378, %dma_wait3A_379] : memref<3x2x128x128xf32, #tpu.memory_space<vmem>> -> memref<1x1x128x128xf32, #tpu.memory_space<vmem>>
      %dma_wait3A_381 = tpu.memref_squeeze %dma_wait3A_380 : memref<1x1x128x128xf32, #tpu.memory_space<vmem>> -> memref<128x128xf32, #tpu.memory_space<vmem>>
      %dma_wait3A_382 = arith.constant 0 : i32
      %dma_wait3A_383 = tpu.memref_slice %arg5[%add3A_375, %dma_wait3A_382] : memref<200x128xi32, #tpu.memory_space<vmem>> -> memref<1x128xi32, #tpu.memory_space<vmem>>
      %dma_wait3A_384 = tpu.memref_squeeze %dma_wait3A_383 : memref<1x128xi32, #tpu.memory_space<vmem>> -> memref<128xi32, #tpu.memory_space<vmem>>
      %dma_wait3A_385 = arith.constant 0 : i32
      %dma_wait3A_386 = arith.constant 0 : i32
      %dma_wait3A_387 = tpu.memref_slice %arg3[%dma_wait3A_385, %dma_wait3A_386] : memref<100000x128xf32, #tpu.memory_space<hbm>> -> memref<100000x128xf32, #tpu.memory_space<hbm>>
      tpu.wait_indirect_dma semaphore(%arg9 : memref<!tpu.dma_semaphore, #tpu.memory_space<semaphore_mem>>) src(%dma_wait3A_387 : memref<100000x128xf32, #tpu.memory_space<hbm>>) dst(%dma_wait3A_381 : memref<128x128xf32, #tpu.memory_space<vmem>>)
      %mul3A_388 = arith.constant 2 : i32
      %mul3A_389 = arith.muli %mul3A_388, %add3A_371 : i32
      %add3A_390 = arith.constant 1 : i32
      %add3A_391 = arith.addi %mul3A_389, %add3A_390 : i32
      %dma_wait3A_392 = arith.constant 2 : i32
      %dma_wait3A_393 = arith.constant 1 : i32
      %dma_wait3A_394 = arith.constant 0 : i32
      %dma_wait3A_395 = arith.constant 0 : i32
      %dma_wait3A_396 = tpu.memref_slice %arg6[%dma_wait3A_392, %dma_wait3A_393, %dma_wait3A_394, %dma_wait3A_395] : memref<3x2x128x128xf32, #tpu.memory_space<vmem>> -> memref<1x1x128x128xf32, #tpu.memory_space<vmem>>
      %dma_wait3A_397 = tpu.memref_squeeze %dma_wait3A_396 : memref<1x1x128x128xf32, #tpu.memory_space<vmem>> -> memref<128x128xf32, #tpu.memory_space<vmem>>
      %dma_wait3A_398 = arith.constant 0 : i32
      %dma_wait3A_399 = tpu.memref_slice %arg5[%add3A_391, %dma_wait3A_398] : memref<200x128xi32, #tpu.memory_space<vmem>> -> memref<1x128xi32, #tpu.memory_space<vmem>>
      %dma_wait3A_400 = tpu.memref_squeeze %dma_wait3A_399 : memref<1x128xi32, #tpu.memory_space<vmem>> -> memref<128xi32, #tpu.memory_space<vmem>>
      %dma_wait3A_401 = arith.constant 0 : i32
      %dma_wait3A_402 = arith.constant 0 : i32
      %dma_wait3A_403 = tpu.memref_slice %arg3[%dma_wait3A_401, %dma_wait3A_402] : memref<100000x128xf32, #tpu.memory_space<hbm>> -> memref<100000x128xf32, #tpu.memory_space<hbm>>
      tpu.wait_indirect_dma semaphore(%arg9 : memref<!tpu.dma_semaphore, #tpu.memory_space<semaphore_mem>>) src(%dma_wait3A_403 : memref<100000x128xf32, #tpu.memory_space<hbm>>) dst(%dma_wait3A_397 : memref<128x128xf32, #tpu.memory_space<vmem>>)
      %mul3A_404 = arith.constant 2 : i32
      %mul3A_405 = arith.muli %mul3A_404, %add3A_371 : i32
      %add3A_406 = arith.addi %mul3A_2, %mul3A_405 : i32
      %dma_start3A_407 = arith.constant 2 : i32
      %dma_start3A_408 = arith.constant 0 : i32
      %dma_start3A_409 = arith.constant 0 : i32
      %dma_start3A_410 = arith.constant 0 : i32
      %dma_start3A_411 = tpu.memref_slice %arg6[%dma_start3A_407, %dma_start3A_408, %dma_start3A_409, %dma_start3A_410] : memref<3x2x128x128xf32, #tpu.memory_space<vmem>> -> memref<1x2x128x128xf32, #tpu.memory_space<vmem>>
      %dma_start3A_412 = tpu.memref_squeeze %dma_start3A_411 : memref<1x2x128x128xf32, #tpu.memory_space<vmem>> -> memref<2x128x128xf32, #tpu.memory_space<vmem>>
      %dma_start3A_413 = arith.constant 0 : i32
      %dma_start3A_414 = arith.constant 0 : i32
      %dma_start3A_415 = tpu.memref_slice %arg4[%add3A_406, %dma_start3A_413, %dma_start3A_414] : memref<6400x128x128xf32, #tpu.memory_space<hbm>> -> memref<2x128x128xf32, #tpu.memory_space<hbm>>
      %dma_start3A_416 = arith.constant 0 : i32
      %dma_start3A_417 = arith.constant 0 : i32
      %dma_start3A_418 = tpu.memref_slice %arg4[%add3A_406, %dma_start3A_416, %dma_start3A_417] : memref<6400x128x128xf32, #tpu.memory_space<hbm>> -> memref<2x128x128xf32, #tpu.memory_space<hbm>>
      %dma_start3A_419 = arith.constant 0 : i32
      %dma_start3A_420 = arith.constant 0 : i32
      %dma_start3A_421 = arith.constant 0 : i32
      %dma_start3A_422 = tpu.memref_slice %arg6[%dma_start3A_407, %dma_start3A_419, %dma_start3A_420, %dma_start3A_421] : memref<3x2x128x128xf32, #tpu.memory_space<vmem>> -> memref<1x2x128x128xf32, #tpu.memory_space<vmem>>
      %dma_start3A_423 = tpu.memref_squeeze %dma_start3A_422 : memref<1x2x128x128xf32, #tpu.memory_space<vmem>> -> memref<2x128x128xf32, #tpu.memory_space<vmem>>
      tpu.enqueue_dma source(%dma_start3A_423 : memref<2x128x128xf32, #tpu.memory_space<vmem>>) target(%dma_start3A_418 : memref<2x128x128xf32, #tpu.memory_space<hbm>>) target_semaphore(%arg12 : memref<!tpu.dma_semaphore, #tpu.memory_space<semaphore_mem>>)
      %sub3A = arith.constant 2 : i32
      %sub3A_424 = arith.subi %add3A_371, %sub3A : i32
      %mul3A_425 = arith.constant 2 : i32
      %mul3A_426 = arith.muli %mul3A_425, %sub3A_424 : i32
      %add3A_427 = arith.addi %mul3A_2, %mul3A_426 : i32
      %dma_wait3A_428 = arith.constant 0 : i32
      %dma_wait3A_429 = arith.constant 0 : i32
      %dma_wait3A_430 = arith.constant 0 : i32
      %dma_wait3A_431 = arith.constant 0 : i32
      %dma_wait3A_432 = tpu.memref_slice %arg6[%dma_wait3A_428, %dma_wait3A_429, %dma_wait3A_430, %dma_wait3A_431] : memref<3x2x128x128xf32, #tpu.memory_space<vmem>> -> memref<1x2x128x128xf32, #tpu.memory_space<vmem>>
      %dma_wait3A_433 = tpu.memref_squeeze %dma_wait3A_432 : memref<1x2x128x128xf32, #tpu.memory_space<vmem>> -> memref<2x128x128xf32, #tpu.memory_space<vmem>>
      %dma_wait3A_434 = arith.constant 0 : i32
      %dma_wait3A_435 = arith.constant 0 : i32
      %dma_wait3A_436 = tpu.memref_slice %arg4[%add3A_427, %dma_wait3A_434, %dma_wait3A_435] : memref<6400x128x128xf32, #tpu.memory_space<hbm>> -> memref<2x128x128xf32, #tpu.memory_space<hbm>>
      %dma_wait3A_437 = arith.constant 0 : i32
      %dma_wait3A_438 = arith.constant 0 : i32
      %dma_wait3A_439 = tpu.memref_slice %arg4[%add3A_427, %dma_wait3A_437, %dma_wait3A_438] : memref<6400x128x128xf32, #tpu.memory_space<hbm>> -> memref<2x128x128xf32, #tpu.memory_space<hbm>>
      %dma_wait3A_440 = arith.constant 0 : i32
      %dma_wait3A_441 = arith.constant 0 : i32
      %dma_wait3A_442 = arith.constant 0 : i32
      %dma_wait3A_443 = tpu.memref_slice %arg6[%dma_wait3A_428, %dma_wait3A_440, %dma_wait3A_441, %dma_wait3A_442] : memref<3x2x128x128xf32, #tpu.memory_space<vmem>> -> memref<1x2x128x128xf32, #tpu.memory_space<vmem>>
      %dma_wait3A_444 = tpu.memref_squeeze %dma_wait3A_443 : memref<1x2x128x128xf32, #tpu.memory_space<vmem>> -> memref<2x128x128xf32, #tpu.memory_space<vmem>>
      tpu.wait_dma2 semaphore(%arg10 : memref<!tpu.dma_semaphore, #tpu.memory_space<semaphore_mem>>) src(%dma_wait3A_444 : memref<2x128x128xf32, #tpu.memory_space<vmem>>) dst(%dma_wait3A_439 : memref<2x128x128xf32, #tpu.memory_space<hbm>>)
      %add3A_445 = arith.constant 1 : i32
      %add3A_446 = arith.addi %add3A_371, %add3A_445 : i32
      %mul3A_447 = arith.constant 2 : i32
      %mul3A_448 = arith.muli %mul3A_447, %add3A_446 : i32
      %add3A_449 = arith.constant 0 : i32
      %add3A_450 = arith.addi %mul3A_448, %add3A_449 : i32
      %dma_start3A_451 = arith.constant 0 : i32
      %dma_start3A_452 = arith.constant 0 : i32
      %dma_start3A_453 = arith.constant 0 : i32
      %dma_start3A_454 = arith.constant 0 : i32
      %dma_start3A_455 = tpu.memref_slice %arg6[%dma_start3A_451, %dma_start3A_452, %dma_start3A_453, %dma_start3A_454] : memref<3x2x128x128xf32, #tpu.memory_space<vmem>> -> memref<1x1x128x128xf32, #tpu.memory_space<vmem>>
      %dma_start3A_456 = tpu.memref_squeeze %dma_start3A_455 : memref<1x1x128x128xf32, #tpu.memory_space<vmem>> -> memref<128x128xf32, #tpu.memory_space<vmem>>
      %dma_start3A_457 = arith.constant 0 : i32
      %dma_start3A_458 = tpu.memref_slice %arg5[%add3A_450, %dma_start3A_457] : memref<200x128xi32, #tpu.memory_space<vmem>> -> memref<1x128xi32, #tpu.memory_space<vmem>>
      %dma_start3A_459 = tpu.memref_squeeze %dma_start3A_458 : memref<1x128xi32, #tpu.memory_space<vmem>> -> memref<128xi32, #tpu.memory_space<vmem>>
      %dma_start3A_460 = arith.constant 0 : i32
      %dma_start3A_461 = arith.constant 0 : i32
      %dma_start3A_462 = tpu.memref_slice %arg3[%dma_start3A_460, %dma_start3A_461] : memref<100000x128xf32, #tpu.memory_space<hbm>> -> memref<100000x128xf32, #tpu.memory_space<hbm>>
      tpu.enqueue_indirect_dma source(%dma_start3A_462 : memref<100000x128xf32, #tpu.memory_space<hbm>>) target(%dma_start3A_456 : memref<128x128xf32, #tpu.memory_space<vmem>>) offsets(%dma_start3A_459 : memref<128xi32, #tpu.memory_space<vmem>>) semaphore(%arg7 : memref<!tpu.dma_semaphore, #tpu.memory_space<semaphore_mem>>)
      %mul3A_463 = arith.constant 2 : i32
      %mul3A_464 = arith.muli %mul3A_463, %add3A_446 : i32
      %add3A_465 = arith.constant 1 : i32
      %add3A_466 = arith.addi %mul3A_464, %add3A_465 : i32
      %dma_start3A_467 = arith.constant 0 : i32
      %dma_start3A_468 = arith.constant 1 : i32
      %dma_start3A_469 = arith.constant 0 : i32
      %dma_start3A_470 = arith.constant 0 : i32
      %dma_start3A_471 = tpu.memref_slice %arg6[%dma_start3A_467, %dma_start3A_468, %dma_start3A_469, %dma_start3A_470] : memref<3x2x128x128xf32, #tpu.memory_space<vmem>> -> memref<1x1x128x128xf32, #tpu.memory_space<vmem>>
      %dma_start3A_472 = tpu.memref_squeeze %dma_start3A_471 : memref<1x1x128x128xf32, #tpu.memory_space<vmem>> -> memref<128x128xf32, #tpu.memory_space<vmem>>
      %dma_start3A_473 = arith.constant 0 : i32
      %dma_start3A_474 = tpu.memref_slice %arg5[%add3A_466, %dma_start3A_473] : memref<200x128xi32, #tpu.memory_space<vmem>> -> memref<1x128xi32, #tpu.memory_space<vmem>>
      %dma_start3A_475 = tpu.memref_squeeze %dma_start3A_474 : memref<1x128xi32, #tpu.memory_space<vmem>> -> memref<128xi32, #tpu.memory_space<vmem>>
      %dma_start3A_476 = arith.constant 0 : i32
      %dma_start3A_477 = arith.constant 0 : i32
      %dma_start3A_478 = tpu.memref_slice %arg3[%dma_start3A_476, %dma_start3A_477] : memref<100000x128xf32, #tpu.memory_space<hbm>> -> memref<100000x128xf32, #tpu.memory_space<hbm>>
      tpu.enqueue_indirect_dma source(%dma_start3A_478 : memref<100000x128xf32, #tpu.memory_space<hbm>>) target(%dma_start3A_472 : memref<128x128xf32, #tpu.memory_space<vmem>>) offsets(%dma_start3A_475 : memref<128xi32, #tpu.memory_space<vmem>>) semaphore(%arg7 : memref<!tpu.dma_semaphore, #tpu.memory_space<semaphore_mem>>)
      %add3A_479 = arith.constant 1 : i32
      %add3A_480 = arith.addi %add3A_369, %add3A_479 : i32
      %mul3A_481 = arith.constant 2 : i32
      %mul3A_482 = arith.muli %mul3A_481, %add3A_480 : i32
      %add3A_483 = arith.constant 0 : i32
      %add3A_484 = arith.addi %mul3A_482, %add3A_483 : i32
      %dma_wait3A_485 = arith.constant 0 : i32
      %dma_wait3A_486 = arith.constant 0 : i32
      %dma_wait3A_487 = arith.constant 0 : i32
      %dma_wait3A_488 = arith.constant 0 : i32
      %dma_wait3A_489 = tpu.memref_slice %arg6[%dma_wait3A_485, %dma_wait3A_486, %dma_wait3A_487, %dma_wait3A_488] : memref<3x2x128x128xf32, #tpu.memory_space<vmem>> -> memref<1x1x128x128xf32, #tpu.memory_space<vmem>>
      %dma_wait3A_490 = tpu.memref_squeeze %dma_wait3A_489 : memref<1x1x128x128xf32, #tpu.memory_space<vmem>> -> memref<128x128xf32, #tpu.memory_space<vmem>>
      %dma_wait3A_491 = arith.constant 0 : i32
      %dma_wait3A_492 = tpu.memref_slice %arg5[%add3A_484, %dma_wait3A_491] : memref<200x128xi32, #tpu.memory_space<vmem>> -> memref<1x128xi32, #tpu.memory_space<vmem>>
      %dma_wait3A_493 = tpu.memref_squeeze %dma_wait3A_492 : memref<1x128xi32, #tpu.memory_space<vmem>> -> memref<128xi32, #tpu.memory_space<vmem>>
      %dma_wait3A_494 = arith.constant 0 : i32
      %dma_wait3A_495 = arith.constant 0 : i32
      %dma_wait3A_496 = tpu.memref_slice %arg3[%dma_wait3A_494, %dma_wait3A_495] : memref<100000x128xf32, #tpu.memory_space<hbm>> -> memref<100000x128xf32, #tpu.memory_space<hbm>>
      tpu.wait_indirect_dma semaphore(%arg7 : memref<!tpu.dma_semaphore, #tpu.memory_space<semaphore_mem>>) src(%dma_wait3A_496 : memref<100000x128xf32, #tpu.memory_space<hbm>>) dst(%dma_wait3A_490 : memref<128x128xf32, #tpu.memory_space<vmem>>)
      %mul3A_497 = arith.constant 2 : i32
      %mul3A_498 = arith.muli %mul3A_497, %add3A_480 : i32
      %add3A_499 = arith.constant 1 : i32
      %add3A_500 = arith.addi %mul3A_498, %add3A_499 : i32
      %dma_wait3A_501 = arith.constant 0 : i32
      %dma_wait3A_502 = arith.constant 1 : i32
      %dma_wait3A_503 = arith.constant 0 : i32
      %dma_wait3A_504 = arith.constant 0 : i32
      %dma_wait3A_505 = tpu.memref_slice %arg6[%dma_wait3A_501, %dma_wait3A_502, %dma_wait3A_503, %dma_wait3A_504] : memref<3x2x128x128xf32, #tpu.memory_space<vmem>> -> memref<1x1x128x128xf32, #tpu.memory_space<vmem>>
      %dma_wait3A_506 = tpu.memref_squeeze %dma_wait3A_505 : memref<1x1x128x128xf32, #tpu.memory_space<vmem>> -> memref<128x128xf32, #tpu.memory_space<vmem>>
      %dma_wait3A_507 = arith.constant 0 : i32
      %dma_wait3A_508 = tpu.memref_slice %arg5[%add3A_500, %dma_wait3A_507] : memref<200x128xi32, #tpu.memory_space<vmem>> -> memref<1x128xi32, #tpu.memory_space<vmem>>
      %dma_wait3A_509 = tpu.memref_squeeze %dma_wait3A_508 : memref<1x128xi32, #tpu.memory_space<vmem>> -> memref<128xi32, #tpu.memory_space<vmem>>
      %dma_wait3A_510 = arith.constant 0 : i32
      %dma_wait3A_511 = arith.constant 0 : i32
      %dma_wait3A_512 = tpu.memref_slice %arg3[%dma_wait3A_510, %dma_wait3A_511] : memref<100000x128xf32, #tpu.memory_space<hbm>> -> memref<100000x128xf32, #tpu.memory_space<hbm>>
      tpu.wait_indirect_dma semaphore(%arg7 : memref<!tpu.dma_semaphore, #tpu.memory_space<semaphore_mem>>) src(%dma_wait3A_512 : memref<100000x128xf32, #tpu.memory_space<hbm>>) dst(%dma_wait3A_506 : memref<128x128xf32, #tpu.memory_space<vmem>>)
      %mul3A_513 = arith.constant 2 : i32
      %mul3A_514 = arith.muli %mul3A_513, %add3A_480 : i32
      %add3A_515 = arith.addi %mul3A_2, %mul3A_514 : i32
      %dma_start3A_516 = arith.constant 0 : i32
      %dma_start3A_517 = arith.constant 0 : i32
      %dma_start3A_518 = arith.constant 0 : i32
      %dma_start3A_519 = arith.constant 0 : i32
      %dma_start3A_520 = tpu.memref_slice %arg6[%dma_start3A_516, %dma_start3A_517, %dma_start3A_518, %dma_start3A_519] : memref<3x2x128x128xf32, #tpu.memory_space<vmem>> -> memref<1x2x128x128xf32, #tpu.memory_space<vmem>>
      %dma_start3A_521 = tpu.memref_squeeze %dma_start3A_520 : memref<1x2x128x128xf32, #tpu.memory_space<vmem>> -> memref<2x128x128xf32, #tpu.memory_space<vmem>>
      %dma_start3A_522 = arith.constant 0 : i32
      %dma_start3A_523 = arith.constant 0 : i32
      %dma_start3A_524 = tpu.memref_slice %arg4[%add3A_515, %dma_start3A_522, %dma_start3A_523] : memref<6400x128x128xf32, #tpu.memory_space<hbm>> -> memref<2x128x128xf32, #tpu.memory_space<hbm>>
      %dma_start3A_525 = arith.constant 0 : i32
      %dma_start3A_526 = arith.constant 0 : i32
      %dma_start3A_527 = tpu.memref_slice %arg4[%add3A_515, %dma_start3A_525, %dma_start3A_526] : memref<6400x128x128xf32, #tpu.memory_space<hbm>> -> memref<2x128x128xf32, #tpu.memory_space<hbm>>
      %dma_start3A_528 = arith.constant 0 : i32
      %dma_start3A_529 = arith.constant 0 : i32
      %dma_start3A_530 = arith.constant 0 : i32
      %dma_start3A_531 = tpu.memref_slice %arg6[%dma_start3A_516, %dma_start3A_528, %dma_start3A_529, %dma_start3A_530] : memref<3x2x128x128xf32, #tpu.memory_space<vmem>> -> memref<1x2x128x128xf32, #tpu.memory_space<vmem>>
      %dma_start3A_532 = tpu.memref_squeeze %dma_start3A_531 : memref<1x2x128x128xf32, #tpu.memory_space<vmem>> -> memref<2x128x128xf32, #tpu.memory_space<vmem>>
      tpu.enqueue_dma source(%dma_start3A_532 : memref<2x128x128xf32, #tpu.memory_space<vmem>>) target(%dma_start3A_527 : memref<2x128x128xf32, #tpu.memory_space<hbm>>) target_semaphore(%arg10 : memref<!tpu.dma_semaphore, #tpu.memory_space<semaphore_mem>>)
      %sub3A_533 = arith.constant 2 : i32
      %sub3A_534 = arith.subi %add3A_480, %sub3A_533 : i32
      %mul3A_535 = arith.constant 2 : i32
      %mul3A_536 = arith.muli %mul3A_535, %sub3A_534 : i32
      %add3A_537 = arith.addi %mul3A_2, %mul3A_536 : i32
      %dma_wait3A_538 = arith.constant 1 : i32
      %dma_wait3A_539 = arith.constant 0 : i32
      %dma_wait3A_540 = arith.constant 0 : i32
      %dma_wait3A_541 = arith.constant 0 : i32
      %dma_wait3A_542 = tpu.memref_slice %arg6[%dma_wait3A_538, %dma_wait3A_539, %dma_wait3A_540, %dma_wait3A_541] : memref<3x2x128x128xf32, #tpu.memory_space<vmem>> -> memref<1x2x128x128xf32, #tpu.memory_space<vmem>>
      %dma_wait3A_543 = tpu.memref_squeeze %dma_wait3A_542 : memref<1x2x128x128xf32, #tpu.memory_space<vmem>> -> memref<2x128x128xf32, #tpu.memory_space<vmem>>
      %dma_wait3A_544 = arith.constant 0 : i32
      %dma_wait3A_545 = arith.constant 0 : i32
      %dma_wait3A_546 = tpu.memref_slice %arg4[%add3A_537, %dma_wait3A_544, %dma_wait3A_545] : memref<6400x128x128xf32, #tpu.memory_space<hbm>> -> memref<2x128x128xf32, #tpu.memory_space<hbm>>
      %dma_wait3A_547 = arith.constant 0 : i32
      %dma_wait3A_548 = arith.constant 0 : i32
      %dma_wait3A_549 = tpu.memref_slice %arg4[%add3A_537, %dma_wait3A_547, %dma_wait3A_548] : memref<6400x128x128xf32, #tpu.memory_space<hbm>> -> memref<2x128x128xf32, #tpu.memory_space<hbm>>
      %dma_wait3A_550 = arith.constant 0 : i32
      %dma_wait3A_551 = arith.constant 0 : i32
      %dma_wait3A_552 = arith.constant 0 : i32
      %dma_wait3A_553 = tpu.memref_slice %arg6[%dma_wait3A_538, %dma_wait3A_550, %dma_wait3A_551, %dma_wait3A_552] : memref<3x2x128x128xf32, #tpu.memory_space<vmem>> -> memref<1x2x128x128xf32, #tpu.memory_space<vmem>>
      %dma_wait3A_554 = tpu.memref_squeeze %dma_wait3A_553 : memref<1x2x128x128xf32, #tpu.memory_space<vmem>> -> memref<2x128x128xf32, #tpu.memory_space<vmem>>
      tpu.wait_dma2 semaphore(%arg11 : memref<!tpu.dma_semaphore, #tpu.memory_space<semaphore_mem>>) src(%dma_wait3A_554 : memref<2x128x128xf32, #tpu.memory_space<vmem>>) dst(%dma_wait3A_549 : memref<2x128x128xf32, #tpu.memory_space<hbm>>)
      %add3A_555 = arith.constant 1 : i32
      %add3A_556 = arith.addi %add3A_480, %add3A_555 : i32
      %mul3A_557 = arith.constant 2 : i32
      %mul3A_558 = arith.muli %mul3A_557, %add3A_556 : i32
      %add3A_559 = arith.constant 0 : i32
      %add3A_560 = arith.addi %mul3A_558, %add3A_559 : i32
      %dma_start3A_561 = arith.constant 1 : i32
      %dma_start3A_562 = arith.constant 0 : i32
      %dma_start3A_563 = arith.constant 0 : i32
      %dma_start3A_564 = arith.constant 0 : i32
      %dma_start3A_565 = tpu.memref_slice %arg6[%dma_start3A_561, %dma_start3A_562, %dma_start3A_563, %dma_start3A_564] : memref<3x2x128x128xf32, #tpu.memory_space<vmem>> -> memref<1x1x128x128xf32, #tpu.memory_space<vmem>>
      %dma_start3A_566 = tpu.memref_squeeze %dma_start3A_565 : memref<1x1x128x128xf32, #tpu.memory_space<vmem>> -> memref<128x128xf32, #tpu.memory_space<vmem>>
      %dma_start3A_567 = arith.constant 0 : i32
      %dma_start3A_568 = tpu.memref_slice %arg5[%add3A_560, %dma_start3A_567] : memref<200x128xi32, #tpu.memory_space<vmem>> -> memref<1x128xi32, #tpu.memory_space<vmem>>
      %dma_start3A_569 = tpu.memref_squeeze %dma_start3A_568 : memref<1x128xi32, #tpu.memory_space<vmem>> -> memref<128xi32, #tpu.memory_space<vmem>>
      %dma_start3A_570 = arith.constant 0 : i32
      %dma_start3A_571 = arith.constant 0 : i32
      %dma_start3A_572 = tpu.memref_slice %arg3[%dma_start3A_570, %dma_start3A_571] : memref<100000x128xf32, #tpu.memory_space<hbm>> -> memref<100000x128xf32, #tpu.memory_space<hbm>>
      tpu.enqueue_indirect_dma source(%dma_start3A_572 : memref<100000x128xf32, #tpu.memory_space<hbm>>) target(%dma_start3A_566 : memref<128x128xf32, #tpu.memory_space<vmem>>) offsets(%dma_start3A_569 : memref<128xi32, #tpu.memory_space<vmem>>) semaphore(%arg8 : memref<!tpu.dma_semaphore, #tpu.memory_space<semaphore_mem>>)
      %mul3A_573 = arith.constant 2 : i32
      %mul3A_574 = arith.muli %mul3A_573, %add3A_556 : i32
      %add3A_575 = arith.constant 1 : i32
      %add3A_576 = arith.addi %mul3A_574, %add3A_575 : i32
      %dma_start3A_577 = arith.constant 1 : i32
      %dma_start3A_578 = arith.constant 1 : i32
      %dma_start3A_579 = arith.constant 0 : i32
      %dma_start3A_580 = arith.constant 0 : i32
      %dma_start3A_581 = tpu.memref_slice %arg6[%dma_start3A_577, %dma_start3A_578, %dma_start3A_579, %dma_start3A_580] : memref<3x2x128x128xf32, #tpu.memory_space<vmem>> -> memref<1x1x128x128xf32, #tpu.memory_space<vmem>>
      %dma_start3A_582 = tpu.memref_squeeze %dma_start3A_581 : memref<1x1x128x128xf32, #tpu.memory_space<vmem>> -> memref<128x128xf32, #tpu.memory_space<vmem>>
      %dma_start3A_583 = arith.constant 0 : i32
      %dma_start3A_584 = tpu.memref_slice %arg5[%add3A_576, %dma_start3A_583] : memref<200x128xi32, #tpu.memory_space<vmem>> -> memref<1x128xi32, #tpu.memory_space<vmem>>
      %dma_start3A_585 = tpu.memref_squeeze %dma_start3A_584 : memref<1x128xi32, #tpu.memory_space<vmem>> -> memref<128xi32, #tpu.memory_space<vmem>>
      %dma_start3A_586 = arith.constant 0 : i32
      %dma_start3A_587 = arith.constant 0 : i32
      %dma_start3A_588 = tpu.memref_slice %arg3[%dma_start3A_586, %dma_start3A_587] : memref<100000x128xf32, #tpu.memory_space<hbm>> -> memref<100000x128xf32, #tpu.memory_space<hbm>>
      tpu.enqueue_indirect_dma source(%dma_start3A_588 : memref<100000x128xf32, #tpu.memory_space<hbm>>) target(%dma_start3A_582 : memref<128x128xf32, #tpu.memory_space<vmem>>) offsets(%dma_start3A_585 : memref<128xi32, #tpu.memory_space<vmem>>) semaphore(%arg8 : memref<!tpu.dma_semaphore, #tpu.memory_space<semaphore_mem>>)
      %add3A_589 = arith.constant 2 : i32
      %add3A_590 = arith.addi %add3A_369, %add3A_589 : i32
      %mul3A_591 = arith.constant 2 : i32
      %mul3A_592 = arith.muli %mul3A_591, %add3A_590 : i32
      %add3A_593 = arith.constant 0 : i32
      %add3A_594 = arith.addi %mul3A_592, %add3A_593 : i32
      %dma_wait3A_595 = arith.constant 1 : i32
      %dma_wait3A_596 = arith.constant 0 : i32
      %dma_wait3A_597 = arith.constant 0 : i32
      %dma_wait3A_598 = arith.constant 0 : i32
      %dma_wait3A_599 = tpu.memref_slice %arg6[%dma_wait3A_595, %dma_wait3A_596, %dma_wait3A_597, %dma_wait3A_598] : memref<3x2x128x128xf32, #tpu.memory_space<vmem>> -> memref<1x1x128x128xf32, #tpu.memory_space<vmem>>
      %dma_wait3A_600 = tpu.memref_squeeze %dma_wait3A_599 : memref<1x1x128x128xf32, #tpu.memory_space<vmem>> -> memref<128x128xf32, #tpu.memory_space<vmem>>
      %dma_wait3A_601 = arith.constant 0 : i32
      %dma_wait3A_602 = tpu.memref_slice %arg5[%add3A_594, %dma_wait3A_601] : memref<200x128xi32, #tpu.memory_space<vmem>> -> memref<1x128xi32, #tpu.memory_space<vmem>>
      %dma_wait3A_603 = tpu.memref_squeeze %dma_wait3A_602 : memref<1x128xi32, #tpu.memory_space<vmem>> -> memref<128xi32, #tpu.memory_space<vmem>>
      %dma_wait3A_604 = arith.constant 0 : i32
      %dma_wait3A_605 = arith.constant 0 : i32
      %dma_wait3A_606 = tpu.memref_slice %arg3[%dma_wait3A_604, %dma_wait3A_605] : memref<100000x128xf32, #tpu.memory_space<hbm>> -> memref<100000x128xf32, #tpu.memory_space<hbm>>
      tpu.wait_indirect_dma semaphore(%arg8 : memref<!tpu.dma_semaphore, #tpu.memory_space<semaphore_mem>>) src(%dma_wait3A_606 : memref<100000x128xf32, #tpu.memory_space<hbm>>) dst(%dma_wait3A_600 : memref<128x128xf32, #tpu.memory_space<vmem>>)
      %mul3A_607 = arith.constant 2 : i32
      %mul3A_608 = arith.muli %mul3A_607, %add3A_590 : i32
      %add3A_609 = arith.constant 1 : i32
      %add3A_610 = arith.addi %mul3A_608, %add3A_609 : i32
      %dma_wait3A_611 = arith.constant 1 : i32
      %dma_wait3A_612 = arith.constant 1 : i32
      %dma_wait3A_613 = arith.constant 0 : i32
      %dma_wait3A_614 = arith.constant 0 : i32
      %dma_wait3A_615 = tpu.memref_slice %arg6[%dma_wait3A_611, %dma_wait3A_612, %dma_wait3A_613, %dma_wait3A_614] : memref<3x2x128x128xf32, #tpu.memory_space<vmem>> -> memref<1x1x128x128xf32, #tpu.memory_space<vmem>>
      %dma_wait3A_616 = tpu.memref_squeeze %dma_wait3A_615 : memref<1x1x128x128xf32, #tpu.memory_space<vmem>> -> memref<128x128xf32, #tpu.memory_space<vmem>>
      %dma_wait3A_617 = arith.constant 0 : i32
      %dma_wait3A_618 = tpu.memref_slice %arg5[%add3A_610, %dma_wait3A_617] : memref<200x128xi32, #tpu.memory_space<vmem>> -> memref<1x128xi32, #tpu.memory_space<vmem>>
      %dma_wait3A_619 = tpu.memref_squeeze %dma_wait3A_618 : memref<1x128xi32, #tpu.memory_space<vmem>> -> memref<128xi32, #tpu.memory_space<vmem>>
      %dma_wait3A_620 = arith.constant 0 : i32
      %dma_wait3A_621 = arith.constant 0 : i32
      %dma_wait3A_622 = tpu.memref_slice %arg3[%dma_wait3A_620, %dma_wait3A_621] : memref<100000x128xf32, #tpu.memory_space<hbm>> -> memref<100000x128xf32, #tpu.memory_space<hbm>>
      tpu.wait_indirect_dma semaphore(%arg8 : memref<!tpu.dma_semaphore, #tpu.memory_space<semaphore_mem>>) src(%dma_wait3A_622 : memref<100000x128xf32, #tpu.memory_space<hbm>>) dst(%dma_wait3A_616 : memref<128x128xf32, #tpu.memory_space<vmem>>)
      %mul3A_623 = arith.constant 2 : i32
      %mul3A_624 = arith.muli %mul3A_623, %add3A_590 : i32
      %add3A_625 = arith.addi %mul3A_2, %mul3A_624 : i32
      %dma_start3A_626 = arith.constant 1 : i32
      %dma_start3A_627 = arith.constant 0 : i32
      %dma_start3A_628 = arith.constant 0 : i32
      %dma_start3A_629 = arith.constant 0 : i32
      %dma_start3A_630 = tpu.memref_slice %arg6[%dma_start3A_626, %dma_start3A_627, %dma_start3A_628, %dma_start3A_629] : memref<3x2x128x128xf32, #tpu.memory_space<vmem>> -> memref<1x2x128x128xf32, #tpu.memory_space<vmem>>
      %dma_start3A_631 = tpu.memref_squeeze %dma_start3A_630 : memref<1x2x128x128xf32, #tpu.memory_space<vmem>> -> memref<2x128x128xf32, #tpu.memory_space<vmem>>
      %dma_start3A_632 = arith.constant 0 : i32
      %dma_start3A_633 = arith.constant 0 : i32
      %dma_start3A_634 = tpu.memref_slice %arg4[%add3A_625, %dma_start3A_632, %dma_start3A_633] : memref<6400x128x128xf32, #tpu.memory_space<hbm>> -> memref<2x128x128xf32, #tpu.memory_space<hbm>>
      %dma_start3A_635 = arith.constant 0 : i32
      %dma_start3A_636 = arith.constant 0 : i32
      %dma_start3A_637 = tpu.memref_slice %arg4[%add3A_625, %dma_start3A_635, %dma_start3A_636] : memref<6400x128x128xf32, #tpu.memory_space<hbm>> -> memref<2x128x128xf32, #tpu.memory_space<hbm>>
      %dma_start3A_638 = arith.constant 0 : i32
      %dma_start3A_639 = arith.constant 0 : i32
      %dma_start3A_640 = arith.constant 0 : i32
      %dma_start3A_641 = tpu.memref_slice %arg6[%dma_start3A_626, %dma_start3A_638, %dma_start3A_639, %dma_start3A_640] : memref<3x2x128x128xf32, #tpu.memory_space<vmem>> -> memref<1x2x128x128xf32, #tpu.memory_space<vmem>>
      %dma_start3A_642 = tpu.memref_squeeze %dma_start3A_641 : memref<1x2x128x128xf32, #tpu.memory_space<vmem>> -> memref<2x128x128xf32, #tpu.memory_space<vmem>>
      tpu.enqueue_dma source(%dma_start3A_642 : memref<2x128x128xf32, #tpu.memory_space<vmem>>) target(%dma_start3A_637 : memref<2x128x128xf32, #tpu.memory_space<hbm>>) target_semaphore(%arg11 : memref<!tpu.dma_semaphore, #tpu.memory_space<semaphore_mem>>)
      %sub3A_643 = arith.constant 2 : i32
      %sub3A_644 = arith.subi %add3A_590, %sub3A_643 : i32
      %mul3A_645 = arith.constant 2 : i32
      %mul3A_646 = arith.muli %mul3A_645, %sub3A_644 : i32
      %add3A_647 = arith.addi %mul3A_2, %mul3A_646 : i32
      %dma_wait3A_648 = arith.constant 2 : i32
      %dma_wait3A_649 = arith.constant 0 : i32
      %dma_wait3A_650 = arith.constant 0 : i32
      %dma_wait3A_651 = arith.constant 0 : i32
      %dma_wait3A_652 = tpu.memref_slice %arg6[%dma_wait3A_648, %dma_wait3A_649, %dma_wait3A_650, %dma_wait3A_651] : memref<3x2x128x128xf32, #tpu.memory_space<vmem>> -> memref<1x2x128x128xf32, #tpu.memory_space<vmem>>
      %dma_wait3A_653 = tpu.memref_squeeze %dma_wait3A_652 : memref<1x2x128x128xf32, #tpu.memory_space<vmem>> -> memref<2x128x128xf32, #tpu.memory_space<vmem>>
      %dma_wait3A_654 = arith.constant 0 : i32
      %dma_wait3A_655 = arith.constant 0 : i32
      %dma_wait3A_656 = tpu.memref_slice %arg4[%add3A_647, %dma_wait3A_654, %dma_wait3A_655] : memref<6400x128x128xf32, #tpu.memory_space<hbm>> -> memref<2x128x128xf32, #tpu.memory_space<hbm>>
      %dma_wait3A_657 = arith.constant 0 : i32
      %dma_wait3A_658 = arith.constant 0 : i32
      %dma_wait3A_659 = tpu.memref_slice %arg4[%add3A_647, %dma_wait3A_657, %dma_wait3A_658] : memref<6400x128x128xf32, #tpu.memory_space<hbm>> -> memref<2x128x128xf32, #tpu.memory_space<hbm>>
      %dma_wait3A_660 = arith.constant 0 : i32
      %dma_wait3A_661 = arith.constant 0 : i32
      %dma_wait3A_662 = arith.constant 0 : i32
      %dma_wait3A_663 = tpu.memref_slice %arg6[%dma_wait3A_648, %dma_wait3A_660, %dma_wait3A_661, %dma_wait3A_662] : memref<3x2x128x128xf32, #tpu.memory_space<vmem>> -> memref<1x2x128x128xf32, #tpu.memory_space<vmem>>
      %dma_wait3A_664 = tpu.memref_squeeze %dma_wait3A_663 : memref<1x2x128x128xf32, #tpu.memory_space<vmem>> -> memref<2x128x128xf32, #tpu.memory_space<vmem>>
      tpu.wait_dma2 semaphore(%arg12 : memref<!tpu.dma_semaphore, #tpu.memory_space<semaphore_mem>>) src(%dma_wait3A_664 : memref<2x128x128xf32, #tpu.memory_space<vmem>>) dst(%dma_wait3A_659 : memref<2x128x128xf32, #tpu.memory_space<hbm>>)
      %add3A_665 = arith.constant 1 : i32
      %add3A_666 = arith.addi %add3A_590, %add3A_665 : i32
      %mul3A_667 = arith.constant 2 : i32
      %mul3A_668 = arith.muli %mul3A_667, %add3A_666 : i32
      %add3A_669 = arith.constant 0 : i32
      %add3A_670 = arith.addi %mul3A_668, %add3A_669 : i32
      %dma_start3A_671 = arith.constant 2 : i32
      %dma_start3A_672 = arith.constant 0 : i32
      %dma_start3A_673 = arith.constant 0 : i32
      %dma_start3A_674 = arith.constant 0 : i32
      %dma_start3A_675 = tpu.memref_slice %arg6[%dma_start3A_671, %dma_start3A_672, %dma_start3A_673, %dma_start3A_674] : memref<3x2x128x128xf32, #tpu.memory_space<vmem>> -> memref<1x1x128x128xf32, #tpu.memory_space<vmem>>
      %dma_start3A_676 = tpu.memref_squeeze %dma_start3A_675 : memref<1x1x128x128xf32, #tpu.memory_space<vmem>> -> memref<128x128xf32, #tpu.memory_space<vmem>>
      %dma_start3A_677 = arith.constant 0 : i32
      %dma_start3A_678 = tpu.memref_slice %arg5[%add3A_670, %dma_start3A_677] : memref<200x128xi32, #tpu.memory_space<vmem>> -> memref<1x128xi32, #tpu.memory_space<vmem>>
      %dma_start3A_679 = tpu.memref_squeeze %dma_start3A_678 : memref<1x128xi32, #tpu.memory_space<vmem>> -> memref<128xi32, #tpu.memory_space<vmem>>
      %dma_start3A_680 = arith.constant 0 : i32
      %dma_start3A_681 = arith.constant 0 : i32
      %dma_start3A_682 = tpu.memref_slice %arg3[%dma_start3A_680, %dma_start3A_681] : memref<100000x128xf32, #tpu.memory_space<hbm>> -> memref<100000x128xf32, #tpu.memory_space<hbm>>
      tpu.enqueue_indirect_dma source(%dma_start3A_682 : memref<100000x128xf32, #tpu.memory_space<hbm>>) target(%dma_start3A_676 : memref<128x128xf32, #tpu.memory_space<vmem>>) offsets(%dma_start3A_679 : memref<128xi32, #tpu.memory_space<vmem>>) semaphore(%arg9 : memref<!tpu.dma_semaphore, #tpu.memory_space<semaphore_mem>>)
      %mul3A_683 = arith.constant 2 : i32
      %mul3A_684 = arith.muli %mul3A_683, %add3A_666 : i32
      %add3A_685 = arith.constant 1 : i32
      %add3A_686 = arith.addi %mul3A_684, %add3A_685 : i32
      %dma_start3A_687 = arith.constant 2 : i32
      %dma_start3A_688 = arith.constant 1 : i32
      %dma_start3A_689 = arith.constant 0 : i32
      %dma_start3A_690 = arith.constant 0 : i32
      %dma_start3A_691 = tpu.memref_slice %arg6[%dma_start3A_687, %dma_start3A_688, %dma_start3A_689, %dma_start3A_690] : memref<3x2x128x128xf32, #tpu.memory_space<vmem>> -> memref<1x1x128x128xf32, #tpu.memory_space<vmem>>
      %dma_start3A_692 = tpu.memref_squeeze %dma_start3A_691 : memref<1x1x128x128xf32, #tpu.memory_space<vmem>> -> memref<128x128xf32, #tpu.memory_space<vmem>>
      %dma_start3A_693 = arith.constant 0 : i32
      %dma_start3A_694 = tpu.memref_slice %arg5[%add3A_686, %dma_start3A_693] : memref<200x128xi32, #tpu.memory_space<vmem>> -> memref<1x128xi32, #tpu.memory_space<vmem>>
      %dma_start3A_695 = tpu.memref_squeeze %dma_start3A_694 : memref<1x128xi32, #tpu.memory_space<vmem>> -> memref<128xi32, #tpu.memory_space<vmem>>
      %dma_start3A_696 = arith.constant 0 : i32
      %dma_start3A_697 = arith.constant 0 : i32
      %dma_start3A_698 = tpu.memref_slice %arg3[%dma_start3A_696, %dma_start3A_697] : memref<100000x128xf32, #tpu.memory_space<hbm>> -> memref<100000x128xf32, #tpu.memory_space<hbm>>
      tpu.enqueue_indirect_dma source(%dma_start3A_698 : memref<100000x128xf32, #tpu.memory_space<hbm>>) target(%dma_start3A_692 : memref<128x128xf32, #tpu.memory_space<vmem>>) offsets(%dma_start3A_695 : memref<128xi32, #tpu.memory_space<vmem>>) semaphore(%arg9 : memref<!tpu.dma_semaphore, #tpu.memory_space<semaphore_mem>>)
    }
    %scan3A_172 = arith.constant 32 : i32
    %dma_wait3A_173 = arith.constant 196 : i32
    %dma_wait3A_174 = arith.constant 2 : i32
    %dma_wait3A_175 = arith.constant 0 : i32
    %dma_wait3A_176 = arith.constant 0 : i32
    %dma_wait3A_177 = arith.constant 0 : i32
    %dma_wait3A_178 = tpu.memref_slice %arg6[%dma_wait3A_174, %dma_wait3A_175, %dma_wait3A_176, %dma_wait3A_177] : memref<3x2x128x128xf32, #tpu.memory_space<vmem>> -> memref<1x1x128x128xf32, #tpu.memory_space<vmem>>
    %dma_wait3A_179 = tpu.memref_squeeze %dma_wait3A_178 : memref<1x1x128x128xf32, #tpu.memory_space<vmem>> -> memref<128x128xf32, #tpu.memory_space<vmem>>
    %dma_wait3A_180 = arith.constant 0 : i32
    %dma_wait3A_181 = tpu.memref_slice %arg5[%dma_wait3A_173, %dma_wait3A_180] : memref<200x128xi32, #tpu.memory_space<vmem>> -> memref<1x128xi32, #tpu.memory_space<vmem>>
    %dma_wait3A_182 = tpu.memref_squeeze %dma_wait3A_181 : memref<1x128xi32, #tpu.memory_space<vmem>> -> memref<128xi32, #tpu.memory_space<vmem>>
    %dma_wait3A_183 = arith.constant 0 : i32
    %dma_wait3A_184 = arith.constant 0 : i32
    %dma_wait3A_185 = tpu.memref_slice %arg3[%dma_wait3A_183, %dma_wait3A_184] : memref<100000x128xf32, #tpu.memory_space<hbm>> -> memref<100000x128xf32, #tpu.memory_space<hbm>>
    tpu.wait_indirect_dma semaphore(%arg9 : memref<!tpu.dma_semaphore, #tpu.memory_space<semaphore_mem>>) src(%dma_wait3A_185 : memref<100000x128xf32, #tpu.memory_space<hbm>>) dst(%dma_wait3A_179 : memref<128x128xf32, #tpu.memory_space<vmem>>)
    %dma_wait3A_186 = arith.constant 197 : i32
    %dma_wait3A_187 = arith.constant 2 : i32
    %dma_wait3A_188 = arith.constant 1 : i32
    %dma_wait3A_189 = arith.constant 0 : i32
    %dma_wait3A_190 = arith.constant 0 : i32
    %dma_wait3A_191 = tpu.memref_slice %arg6[%dma_wait3A_187, %dma_wait3A_188, %dma_wait3A_189, %dma_wait3A_190] : memref<3x2x128x128xf32, #tpu.memory_space<vmem>> -> memref<1x1x128x128xf32, #tpu.memory_space<vmem>>
    %dma_wait3A_192 = tpu.memref_squeeze %dma_wait3A_191 : memref<1x1x128x128xf32, #tpu.memory_space<vmem>> -> memref<128x128xf32, #tpu.memory_space<vmem>>
    %dma_wait3A_193 = arith.constant 0 : i32
    %dma_wait3A_194 = tpu.memref_slice %arg5[%dma_wait3A_186, %dma_wait3A_193] : memref<200x128xi32, #tpu.memory_space<vmem>> -> memref<1x128xi32, #tpu.memory_space<vmem>>
    %dma_wait3A_195 = tpu.memref_squeeze %dma_wait3A_194 : memref<1x128xi32, #tpu.memory_space<vmem>> -> memref<128xi32, #tpu.memory_space<vmem>>
    %dma_wait3A_196 = arith.constant 0 : i32
    %dma_wait3A_197 = arith.constant 0 : i32
    %dma_wait3A_198 = tpu.memref_slice %arg3[%dma_wait3A_196, %dma_wait3A_197] : memref<100000x128xf32, #tpu.memory_space<hbm>> -> memref<100000x128xf32, #tpu.memory_space<hbm>>
    tpu.wait_indirect_dma semaphore(%arg9 : memref<!tpu.dma_semaphore, #tpu.memory_space<semaphore_mem>>) src(%dma_wait3A_198 : memref<100000x128xf32, #tpu.memory_space<hbm>>) dst(%dma_wait3A_192 : memref<128x128xf32, #tpu.memory_space<vmem>>)
    %add3A_199 = arith.constant 196 : i32
    %add3A_200 = arith.addi %mul3A_2, %add3A_199 : i32
    %dma_start3A_201 = arith.constant 2 : i32
    %dma_start3A_202 = arith.constant 0 : i32
    %dma_start3A_203 = arith.constant 0 : i32
    %dma_start3A_204 = arith.constant 0 : i32
    %dma_start3A_205 = tpu.memref_slice %arg6[%dma_start3A_201, %dma_start3A_202, %dma_start3A_203, %dma_start3A_204] : memref<3x2x128x128xf32, #tpu.memory_space<vmem>> -> memref<1x2x128x128xf32, #tpu.memory_space<vmem>>
    %dma_start3A_206 = tpu.memref_squeeze %dma_start3A_205 : memref<1x2x128x128xf32, #tpu.memory_space<vmem>> -> memref<2x128x128xf32, #tpu.memory_space<vmem>>
    %dma_start3A_207 = arith.constant 0 : i32
    %dma_start3A_208 = arith.constant 0 : i32
    %dma_start3A_209 = tpu.memref_slice %arg4[%add3A_200, %dma_start3A_207, %dma_start3A_208] : memref<6400x128x128xf32, #tpu.memory_space<hbm>> -> memref<2x128x128xf32, #tpu.memory_space<hbm>>
    %dma_start3A_210 = arith.constant 0 : i32
    %dma_start3A_211 = arith.constant 0 : i32
    %dma_start3A_212 = tpu.memref_slice %arg4[%add3A_200, %dma_start3A_210, %dma_start3A_211] : memref<6400x128x128xf32, #tpu.memory_space<hbm>> -> memref<2x128x128xf32, #tpu.memory_space<hbm>>
    %dma_start3A_213 = arith.constant 0 : i32
    %dma_start3A_214 = arith.constant 0 : i32
    %dma_start3A_215 = arith.constant 0 : i32
    %dma_start3A_216 = tpu.memref_slice %arg6[%dma_start3A_201, %dma_start3A_213, %dma_start3A_214, %dma_start3A_215] : memref<3x2x128x128xf32, #tpu.memory_space<vmem>> -> memref<1x2x128x128xf32, #tpu.memory_space<vmem>>
    %dma_start3A_217 = tpu.memref_squeeze %dma_start3A_216 : memref<1x2x128x128xf32, #tpu.memory_space<vmem>> -> memref<2x128x128xf32, #tpu.memory_space<vmem>>
    tpu.enqueue_dma source(%dma_start3A_217 : memref<2x128x128xf32, #tpu.memory_space<vmem>>) target(%dma_start3A_212 : memref<2x128x128xf32, #tpu.memory_space<hbm>>) target_semaphore(%arg12 : memref<!tpu.dma_semaphore, #tpu.memory_space<semaphore_mem>>)
    %add3A_218 = arith.constant 192 : i32
    %add3A_219 = arith.addi %mul3A_2, %add3A_218 : i32
    %dma_wait3A_220 = arith.constant 0 : i32
    %dma_wait3A_221 = arith.constant 0 : i32
    %dma_wait3A_222 = arith.constant 0 : i32
    %dma_wait3A_223 = arith.constant 0 : i32
    %dma_wait3A_224 = tpu.memref_slice %arg6[%dma_wait3A_220, %dma_wait3A_221, %dma_wait3A_222, %dma_wait3A_223] : memref<3x2x128x128xf32, #tpu.memory_space<vmem>> -> memref<1x2x128x128xf32, #tpu.memory_space<vmem>>
    %dma_wait3A_225 = tpu.memref_squeeze %dma_wait3A_224 : memref<1x2x128x128xf32, #tpu.memory_space<vmem>> -> memref<2x128x128xf32, #tpu.memory_space<vmem>>
    %dma_wait3A_226 = arith.constant 0 : i32
    %dma_wait3A_227 = arith.constant 0 : i32
    %dma_wait3A_228 = tpu.memref_slice %arg4[%add3A_219, %dma_wait3A_226, %dma_wait3A_227] : memref<6400x128x128xf32, #tpu.memory_space<hbm>> -> memref<2x128x128xf32, #tpu.memory_space<hbm>>
    %dma_wait3A_229 = arith.constant 0 : i32
    %dma_wait3A_230 = arith.constant 0 : i32
    %dma_wait3A_231 = tpu.memref_slice %arg4[%add3A_219, %dma_wait3A_229, %dma_wait3A_230] : memref<6400x128x128xf32, #tpu.memory_space<hbm>> -> memref<2x128x128xf32, #tpu.memory_space<hbm>>
    %dma_wait3A_232 = arith.constant 0 : i32
    %dma_wait3A_233 = arith.constant 0 : i32
    %dma_wait3A_234 = arith.constant 0 : i32
    %dma_wait3A_235 = tpu.memref_slice %arg6[%dma_wait3A_220, %dma_wait3A_232, %dma_wait3A_233, %dma_wait3A_234] : memref<3x2x128x128xf32, #tpu.memory_space<vmem>> -> memref<1x2x128x128xf32, #tpu.memory_space<vmem>>
    %dma_wait3A_236 = tpu.memref_squeeze %dma_wait3A_235 : memref<1x2x128x128xf32, #tpu.memory_space<vmem>> -> memref<2x128x128xf32, #tpu.memory_space<vmem>>
    tpu.wait_dma2 semaphore(%arg10 : memref<!tpu.dma_semaphore, #tpu.memory_space<semaphore_mem>>) src(%dma_wait3A_236 : memref<2x128x128xf32, #tpu.memory_space<vmem>>) dst(%dma_wait3A_231 : memref<2x128x128xf32, #tpu.memory_space<hbm>>)
    %dma_start3A_237 = arith.constant 198 : i32
    %dma_start3A_238 = arith.constant 0 : i32
    %dma_start3A_239 = arith.constant 0 : i32
    %dma_start3A_240 = arith.constant 0 : i32
    %dma_start3A_241 = arith.constant 0 : i32
    %dma_start3A_242 = tpu.memref_slice %arg6[%dma_start3A_238, %dma_start3A_239, %dma_start3A_240, %dma_start3A_241] : memref<3x2x128x128xf32, #tpu.memory_space<vmem>> -> memref<1x1x128x128xf32, #tpu.memory_space<vmem>>
    %dma_start3A_243 = tpu.memref_squeeze %dma_start3A_242 : memref<1x1x128x128xf32, #tpu.memory_space<vmem>> -> memref<128x128xf32, #tpu.memory_space<vmem>>
    %dma_start3A_244 = arith.constant 0 : i32
    %dma_start3A_245 = tpu.memref_slice %arg5[%dma_start3A_237, %dma_start3A_244] : memref<200x128xi32, #tpu.memory_space<vmem>> -> memref<1x128xi32, #tpu.memory_space<vmem>>
    %dma_start3A_246 = tpu.memref_squeeze %dma_start3A_245 : memref<1x128xi32, #tpu.memory_space<vmem>> -> memref<128xi32, #tpu.memory_space<vmem>>
    %dma_start3A_247 = arith.constant 0 : i32
    %dma_start3A_248 = arith.constant 0 : i32
    %dma_start3A_249 = tpu.memref_slice %arg3[%dma_start3A_247, %dma_start3A_248] : memref<100000x128xf32, #tpu.memory_space<hbm>> -> memref<100000x128xf32, #tpu.memory_space<hbm>>
    tpu.enqueue_indirect_dma source(%dma_start3A_249 : memref<100000x128xf32, #tpu.memory_space<hbm>>) target(%dma_start3A_243 : memref<128x128xf32, #tpu.memory_space<vmem>>) offsets(%dma_start3A_246 : memref<128xi32, #tpu.memory_space<vmem>>) semaphore(%arg7 : memref<!tpu.dma_semaphore, #tpu.memory_space<semaphore_mem>>)
    %dma_start3A_250 = arith.constant 199 : i32
    %dma_start3A_251 = arith.constant 0 : i32
    %dma_start3A_252 = arith.constant 1 : i32
    %dma_start3A_253 = arith.constant 0 : i32
    %dma_start3A_254 = arith.constant 0 : i32
    %dma_start3A_255 = tpu.memref_slice %arg6[%dma_start3A_251, %dma_start3A_252, %dma_start3A_253, %dma_start3A_254] : memref<3x2x128x128xf32, #tpu.memory_space<vmem>> -> memref<1x1x128x128xf32, #tpu.memory_space<vmem>>
    %dma_start3A_256 = tpu.memref_squeeze %dma_start3A_255 : memref<1x1x128x128xf32, #tpu.memory_space<vmem>> -> memref<128x128xf32, #tpu.memory_space<vmem>>
    %dma_start3A_257 = arith.constant 0 : i32
    %dma_start3A_258 = tpu.memref_slice %arg5[%dma_start3A_250, %dma_start3A_257] : memref<200x128xi32, #tpu.memory_space<vmem>> -> memref<1x128xi32, #tpu.memory_space<vmem>>
    %dma_start3A_259 = tpu.memref_squeeze %dma_start3A_258 : memref<1x128xi32, #tpu.memory_space<vmem>> -> memref<128xi32, #tpu.memory_space<vmem>>
    %dma_start3A_260 = arith.constant 0 : i32
    %dma_start3A_261 = arith.constant 0 : i32
    %dma_start3A_262 = tpu.memref_slice %arg3[%dma_start3A_260, %dma_start3A_261] : memref<100000x128xf32, #tpu.memory_space<hbm>> -> memref<100000x128xf32, #tpu.memory_space<hbm>>
    tpu.enqueue_indirect_dma source(%dma_start3A_262 : memref<100000x128xf32, #tpu.memory_space<hbm>>) target(%dma_start3A_256 : memref<128x128xf32, #tpu.memory_space<vmem>>) offsets(%dma_start3A_259 : memref<128xi32, #tpu.memory_space<vmem>>) semaphore(%arg7 : memref<!tpu.dma_semaphore, #tpu.memory_space<semaphore_mem>>)
    %dma_wait3A_263 = arith.constant 198 : i32
    %dma_wait3A_264 = arith.constant 0 : i32
    %dma_wait3A_265 = arith.constant 0 : i32
    %dma_wait3A_266 = arith.constant 0 : i32
    %dma_wait3A_267 = arith.constant 0 : i32
    %dma_wait3A_268 = tpu.memref_slice %arg6[%dma_wait3A_264, %dma_wait3A_265, %dma_wait3A_266, %dma_wait3A_267] : memref<3x2x128x128xf32, #tpu.memory_space<vmem>> -> memref<1x1x128x128xf32, #tpu.memory_space<vmem>>
    %dma_wait3A_269 = tpu.memref_squeeze %dma_wait3A_268 : memref<1x1x128x128xf32, #tpu.memory_space<vmem>> -> memref<128x128xf32, #tpu.memory_space<vmem>>
    %dma_wait3A_270 = arith.constant 0 : i32
    %dma_wait3A_271 = tpu.memref_slice %arg5[%dma_wait3A_263, %dma_wait3A_270] : memref<200x128xi32, #tpu.memory_space<vmem>> -> memref<1x128xi32, #tpu.memory_space<vmem>>
    %dma_wait3A_272 = tpu.memref_squeeze %dma_wait3A_271 : memref<1x128xi32, #tpu.memory_space<vmem>> -> memref<128xi32, #tpu.memory_space<vmem>>
    %dma_wait3A_273 = arith.constant 0 : i32
    %dma_wait3A_274 = arith.constant 0 : i32
    %dma_wait3A_275 = tpu.memref_slice %arg3[%dma_wait3A_273, %dma_wait3A_274] : memref<100000x128xf32, #tpu.memory_space<hbm>> -> memref<100000x128xf32, #tpu.memory_space<hbm>>
    tpu.wait_indirect_dma semaphore(%arg7 : memref<!tpu.dma_semaphore, #tpu.memory_space<semaphore_mem>>) src(%dma_wait3A_275 : memref<100000x128xf32, #tpu.memory_space<hbm>>) dst(%dma_wait3A_269 : memref<128x128xf32, #tpu.memory_space<vmem>>)
    %dma_wait3A_276 = arith.constant 199 : i32
    %dma_wait3A_277 = arith.constant 0 : i32
    %dma_wait3A_278 = arith.constant 1 : i32
    %dma_wait3A_279 = arith.constant 0 : i32
    %dma_wait3A_280 = arith.constant 0 : i32
    %dma_wait3A_281 = tpu.memref_slice %arg6[%dma_wait3A_277, %dma_wait3A_278, %dma_wait3A_279, %dma_wait3A_280] : memref<3x2x128x128xf32, #tpu.memory_space<vmem>> -> memref<1x1x128x128xf32, #tpu.memory_space<vmem>>
    %dma_wait3A_282 = tpu.memref_squeeze %dma_wait3A_281 : memref<1x1x128x128xf32, #tpu.memory_space<vmem>> -> memref<128x128xf32, #tpu.memory_space<vmem>>
    %dma_wait3A_283 = arith.constant 0 : i32
    %dma_wait3A_284 = tpu.memref_slice %arg5[%dma_wait3A_276, %dma_wait3A_283] : memref<200x128xi32, #tpu.memory_space<vmem>> -> memref<1x128xi32, #tpu.memory_space<vmem>>
    %dma_wait3A_285 = tpu.memref_squeeze %dma_wait3A_284 : memref<1x128xi32, #tpu.memory_space<vmem>> -> memref<128xi32, #tpu.memory_space<vmem>>
    %dma_wait3A_286 = arith.constant 0 : i32
    %dma_wait3A_287 = arith.constant 0 : i32
    %dma_wait3A_288 = tpu.memref_slice %arg3[%dma_wait3A_286, %dma_wait3A_287] : memref<100000x128xf32, #tpu.memory_space<hbm>> -> memref<100000x128xf32, #tpu.memory_space<hbm>>
    tpu.wait_indirect_dma semaphore(%arg7 : memref<!tpu.dma_semaphore, #tpu.memory_space<semaphore_mem>>) src(%dma_wait3A_288 : memref<100000x128xf32, #tpu.memory_space<hbm>>) dst(%dma_wait3A_282 : memref<128x128xf32, #tpu.memory_space<vmem>>)
    %add3A_289 = arith.constant 198 : i32
    %add3A_290 = arith.addi %mul3A_2, %add3A_289 : i32
    %dma_start3A_291 = arith.constant 0 : i32
    %dma_start3A_292 = arith.constant 0 : i32
    %dma_start3A_293 = arith.constant 0 : i32
    %dma_start3A_294 = arith.constant 0 : i32
    %dma_start3A_295 = tpu.memref_slice %arg6[%dma_start3A_291, %dma_start3A_292, %dma_start3A_293, %dma_start3A_294] : memref<3x2x128x128xf32, #tpu.memory_space<vmem>> -> memref<1x2x128x128xf32, #tpu.memory_space<vmem>>
    %dma_start3A_296 = tpu.memref_squeeze %dma_start3A_295 : memref<1x2x128x128xf32, #tpu.memory_space<vmem>> -> memref<2x128x128xf32, #tpu.memory_space<vmem>>
    %dma_start3A_297 = arith.constant 0 : i32
    %dma_start3A_298 = arith.constant 0 : i32
    %dma_start3A_299 = tpu.memref_slice %arg4[%add3A_290, %dma_start3A_297, %dma_start3A_298] : memref<6400x128x128xf32, #tpu.memory_space<hbm>> -> memref<2x128x128xf32, #tpu.memory_space<hbm>>
    %dma_start3A_300 = arith.constant 0 : i32
    %dma_start3A_301 = arith.constant 0 : i32
    %dma_start3A_302 = tpu.memref_slice %arg4[%add3A_290, %dma_start3A_300, %dma_start3A_301] : memref<6400x128x128xf32, #tpu.memory_space<hbm>> -> memref<2x128x128xf32, #tpu.memory_space<hbm>>
    %dma_start3A_303 = arith.constant 0 : i32
    %dma_start3A_304 = arith.constant 0 : i32
    %dma_start3A_305 = arith.constant 0 : i32
    %dma_start3A_306 = tpu.memref_slice %arg6[%dma_start3A_291, %dma_start3A_303, %dma_start3A_304, %dma_start3A_305] : memref<3x2x128x128xf32, #tpu.memory_space<vmem>> -> memref<1x2x128x128xf32, #tpu.memory_space<vmem>>
    %dma_start3A_307 = tpu.memref_squeeze %dma_start3A_306 : memref<1x2x128x128xf32, #tpu.memory_space<vmem>> -> memref<2x128x128xf32, #tpu.memory_space<vmem>>
    tpu.enqueue_dma source(%dma_start3A_307 : memref<2x128x128xf32, #tpu.memory_space<vmem>>) target(%dma_start3A_302 : memref<2x128x128xf32, #tpu.memory_space<hbm>>) target_semaphore(%arg10 : memref<!tpu.dma_semaphore, #tpu.memory_space<semaphore_mem>>)
    %add3A_308 = arith.constant 194 : i32
    %add3A_309 = arith.addi %mul3A_2, %add3A_308 : i32
    %dma_wait3A_310 = arith.constant 1 : i32
    %dma_wait3A_311 = arith.constant 0 : i32
    %dma_wait3A_312 = arith.constant 0 : i32
    %dma_wait3A_313 = arith.constant 0 : i32
    %dma_wait3A_314 = tpu.memref_slice %arg6[%dma_wait3A_310, %dma_wait3A_311, %dma_wait3A_312, %dma_wait3A_313] : memref<3x2x128x128xf32, #tpu.memory_space<vmem>> -> memref<1x2x128x128xf32, #tpu.memory_space<vmem>>
    %dma_wait3A_315 = tpu.memref_squeeze %dma_wait3A_314 : memref<1x2x128x128xf32, #tpu.memory_space<vmem>> -> memref<2x128x128xf32, #tpu.memory_space<vmem>>
    %dma_wait3A_316 = arith.constant 0 : i32
    %dma_wait3A_317 = arith.constant 0 : i32
    %dma_wait3A_318 = tpu.memref_slice %arg4[%add3A_309, %dma_wait3A_316, %dma_wait3A_317] : memref<6400x128x128xf32, #tpu.memory_space<hbm>> -> memref<2x128x128xf32, #tpu.memory_space<hbm>>
    %dma_wait3A_319 = arith.constant 0 : i32
    %dma_wait3A_320 = arith.constant 0 : i32
    %dma_wait3A_321 = tpu.memref_slice %arg4[%add3A_309, %dma_wait3A_319, %dma_wait3A_320] : memref<6400x128x128xf32, #tpu.memory_space<hbm>> -> memref<2x128x128xf32, #tpu.memory_space<hbm>>
    %dma_wait3A_322 = arith.constant 0 : i32
    %dma_wait3A_323 = arith.constant 0 : i32
    %dma_wait3A_324 = arith.constant 0 : i32
    %dma_wait3A_325 = tpu.memref_slice %arg6[%dma_wait3A_310, %dma_wait3A_322, %dma_wait3A_323, %dma_wait3A_324] : memref<3x2x128x128xf32, #tpu.memory_space<vmem>> -> memref<1x2x128x128xf32, #tpu.memory_space<vmem>>
    %dma_wait3A_326 = tpu.memref_squeeze %dma_wait3A_325 : memref<1x2x128x128xf32, #tpu.memory_space<vmem>> -> memref<2x128x128xf32, #tpu.memory_space<vmem>>
    tpu.wait_dma2 semaphore(%arg11 : memref<!tpu.dma_semaphore, #tpu.memory_space<semaphore_mem>>) src(%dma_wait3A_326 : memref<2x128x128xf32, #tpu.memory_space<vmem>>) dst(%dma_wait3A_321 : memref<2x128x128xf32, #tpu.memory_space<hbm>>)
    %add3A_327 = arith.constant 196 : i32
    %add3A_328 = arith.addi %mul3A_2, %add3A_327 : i32
    %dma_wait3A_329 = arith.constant 2 : i32
    %dma_wait3A_330 = arith.constant 0 : i32
    %dma_wait3A_331 = arith.constant 0 : i32
    %dma_wait3A_332 = arith.constant 0 : i32
    %dma_wait3A_333 = tpu.memref_slice %arg6[%dma_wait3A_329, %dma_wait3A_330, %dma_wait3A_331, %dma_wait3A_332] : memref<3x2x128x128xf32, #tpu.memory_space<vmem>> -> memref<1x2x128x128xf32, #tpu.memory_space<vmem>>
    %dma_wait3A_334 = tpu.memref_squeeze %dma_wait3A_333 : memref<1x2x128x128xf32, #tpu.memory_space<vmem>> -> memref<2x128x128xf32, #tpu.memory_space<vmem>>
    %dma_wait3A_335 = arith.constant 0 : i32
    %dma_wait3A_336 = arith.constant 0 : i32
    %dma_wait3A_337 = tpu.memref_slice %arg4[%add3A_328, %dma_wait3A_335, %dma_wait3A_336] : memref<6400x128x128xf32, #tpu.memory_space<hbm>> -> memref<2x128x128xf32, #tpu.memory_space<hbm>>
    %dma_wait3A_338 = arith.constant 0 : i32
    %dma_wait3A_339 = arith.constant 0 : i32
    %dma_wait3A_340 = tpu.memref_slice %arg4[%add3A_328, %dma_wait3A_338, %dma_wait3A_339] : memref<6400x128x128xf32, #tpu.memory_space<hbm>> -> memref<2x128x128xf32, #tpu.memory_space<hbm>>
    %dma_wait3A_341 = arith.constant 0 : i32
    %dma_wait3A_342 = arith.constant 0 : i32
    %dma_wait3A_343 = arith.constant 0 : i32
    %dma_wait3A_344 = tpu.memref_slice %arg6[%dma_wait3A_329, %dma_wait3A_341, %dma_wait3A_342, %dma_wait3A_343] : memref<3x2x128x128xf32, #tpu.memory_space<vmem>> -> memref<1x2x128x128xf32, #tpu.memory_space<vmem>>
    %dma_wait3A_345 = tpu.memref_squeeze %dma_wait3A_344 : memref<1x2x128x128xf32, #tpu.memory_space<vmem>> -> memref<2x128x128xf32, #tpu.memory_space<vmem>>
    tpu.wait_dma2 semaphore(%arg12 : memref<!tpu.dma_semaphore, #tpu.memory_space<semaphore_mem>>) src(%dma_wait3A_345 : memref<2x128x128xf32, #tpu.memory_space<vmem>>) dst(%dma_wait3A_340 : memref<2x128x128xf32, #tpu.memory_space<hbm>>)
    %add3A_346 = arith.constant 198 : i32
    %add3A_347 = arith.addi %mul3A_2, %add3A_346 : i32
    %dma_wait3A_348 = arith.constant 0 : i32
    %dma_wait3A_349 = arith.constant 0 : i32
    %dma_wait3A_350 = arith.constant 0 : i32
    %dma_wait3A_351 = arith.constant 0 : i32
    %dma_wait3A_352 = tpu.memref_slice %arg6[%dma_wait3A_348, %dma_wait3A_349, %dma_wait3A_350, %dma_wait3A_351] : memref<3x2x128x128xf32, #tpu.memory_space<vmem>> -> memref<1x2x128x128xf32, #tpu.memory_space<vmem>>
    %dma_wait3A_353 = tpu.memref_squeeze %dma_wait3A_352 : memref<1x2x128x128xf32, #tpu.memory_space<vmem>> -> memref<2x128x128xf32, #tpu.memory_space<vmem>>
    %dma_wait3A_354 = arith.constant 0 : i32
    %dma_wait3A_355 = arith.constant 0 : i32
    %dma_wait3A_356 = tpu.memref_slice %arg4[%add3A_347, %dma_wait3A_354, %dma_wait3A_355] : memref<6400x128x128xf32, #tpu.memory_space<hbm>> -> memref<2x128x128xf32, #tpu.memory_space<hbm>>
    %dma_wait3A_357 = arith.constant 0 : i32
    %dma_wait3A_358 = arith.constant 0 : i32
    %dma_wait3A_359 = tpu.memref_slice %arg4[%add3A_347, %dma_wait3A_357, %dma_wait3A_358] : memref<6400x128x128xf32, #tpu.memory_space<hbm>> -> memref<2x128x128xf32, #tpu.memory_space<hbm>>
    %dma_wait3A_360 = arith.constant 0 : i32
    %dma_wait3A_361 = arith.constant 0 : i32
    %dma_wait3A_362 = arith.constant 0 : i32
    %dma_wait3A_363 = tpu.memref_slice %arg6[%dma_wait3A_348, %dma_wait3A_360, %dma_wait3A_361, %dma_wait3A_362] : memref<3x2x128x128xf32, #tpu.memory_space<vmem>> -> memref<1x2x128x128xf32, #tpu.memory_space<vmem>>
    %dma_wait3A_364 = tpu.memref_squeeze %dma_wait3A_363 : memref<1x2x128x128xf32, #tpu.memory_space<vmem>> -> memref<2x128x128xf32, #tpu.memory_space<vmem>>
    tpu.wait_dma2 semaphore(%arg10 : memref<!tpu.dma_semaphore, #tpu.memory_space<semaphore_mem>>) src(%dma_wait3A_364 : memref<2x128x128xf32, #tpu.memory_space<vmem>>) dst(%dma_wait3A_359 : memref<2x128x128xf32, #tpu.memory_space<hbm>>)
    return
  }
}

</mosaic_0001>

<sc_bundles>
// kernel: emb_gather.3.cloned.1.call-start
scs
__scs_entry_jumppad:
0x0: {  	(pc) =	sbr.rel $0x88, $3  }
0x1: {  	(tag) =	ssettag $0x0;
	lr =	simm.s32 $0x1  }
0x2: {  	[smem:$0x3F9F] =	sst lr;
	_ =	strace $0xD0000000  }
0x3: {  	_ = 	snop  }
0x4: {  	_ = 	snop  }
0x5: {  	_ = 	snop  }
0x6: {  	_ = 	snop  }
0x7: {  	_ = 	snop  }
__scs_overlays_trampoline_lowered:
0x8: {  	[smem:$0x3FAE] =	sst s0  }
0x9: {  	[smem:$0x3FAF] =	sst s1  }
0xa: {  	[smem:$0x3FB0] =	sst s2  }
0xb: {  	[smem:$0x3FB1] =	sst s3  }
0xc: {  	[smem:$0x3FB2] =	sst s4  }
0xd: {  	[smem:$0x3FB3] =	sst s5  }
0xe: {  	[smem:$0x3FB4] =	sst s6  }
0xf: {  	[smem:$0x3FB5] =	sst s7  }
0x10: {  	[smem:$0x3FB6] =	sst s8  }
0x11: {  	[smem:$0x3FB7] =	sst s9;
	s0 =	simm.s32 @!p0 $0x0  }
0x12: {  	s1 =	sld [smem:$0x3F9D];
	s0 =	simm.s32 @p0 $0x1  }
0x13: {  	[smem:$0x3FB8] =	sst s0;
	s0 =	simm.s32 @!p1 $0x0  }
0x14: {  	s2 =	sld [smem:$0x3F9C];
	s0 =	simm.s32 @p1 $0x1  }
0x15: {  	[smem:$0x3FB9] =	sst s0;
	s0 =	simm.s32 @!p2 $0x0  }
0x16: {  	s3 =	sld [smem:$0x3FDB];
	s0 =	simm.s32 @p2 $0x1  }
0x17: {  	s4 =	simm.s32 $0x1BF5;
	[smem:$0x3FBB] =	sst s0  }
0x18: {  	s0 =	sld [smem:$0x3F9E];
	_ =	swait.ge [sflag:s4], $0x0  }
0x19: {  	s7 =	sld [smem:$0x3F9F]  }
0x1a: {  	s8 =	sadd.s32 $0xFFFFE003, lr  }
0x1b: {  	s9 =	sadd.s32 $0xFFFFFEF7, lr;
	s5 =	simm.s32 $0xFFFFFFFF;
	p2 =	slt.u32 s8, $0xFFFFF086  }
0x1c: {  	p1 =	slt.u32 s9, $0xF7A;
	s5 =	simm.s32 @!p2 $0x0  }
0x1d: {  	s5 =	simm.s32 @p1 $0x1;
	p0 =	seq.s32 s7, s2  }
0x1e: {  	s7 =	smul.u32 @!p0 $0xF7A, s2;
	p2 =	seq.s32 @!p0 s5, $0x0  }
0x1f: {  	s9 =	smul.u32 $0xF7A, s1;
	s8 =	simm.s32 @!p0 $0x1BF5;
	p2 =	por !p2, p0  }
0x20: {  	[sflag:s8] =	ssyncset.s32 @!p0 $0xFFFFF086;
	s6 =	sadd.s32 @!p0 s3, s7;
	s7 =	simm.s32 @!p0 $0x108  }
0x21: {  	s3 =	sadd.s32 s3, s9;
	s6 =	sadd.s32 @!p0 $0x88, s6;
	s7 =	simm.s32 @p2 $0x1082  }
0x22: {  	[simem:s7], [sflag:s8] =	dma.local @!p0 [hbm:s6], $0xF7A  }
0x23: {  	s9 =	sor.u32 $0xD0000000, s2;
	s6 =	simm.s32 $0x108;
	_ =	swait.ge @!p0 [sflag:s8], $0x0  }
0x24: {  	s3 =	sadd.s32 $0x88, s3;
	s6 =	simm.s32 @!p1 $0x1082;
	[sflag:s4] =	ssyncset.s32 $0xFFFFF086  }
0x25: {  	[simem:s6], [sflag:s4] =	dma.local [hbm:s3], $0xF7A  }
0x26: {  	[smem:$0x3F9F] =	sst s1;
	(tag) =	ssettag s2;
	_ =	strace s9  }
0x27: {  	s1 =	sld [smem:$0x3FAF]  }
0x28: {  	s2 =	sld [smem:$0x3FB0]  }
0x29: {  	s4 =	sld [smem:$0x3FB2]  }
0x2a: {  	p0 =	seq.s32 s5, $0x0;
	s5 =	sld [smem:$0x3FB3]  }
0x2b: {  	s6 =	sld [smem:$0x3FB4]  }
0x2c: {  	s7 =	sld [smem:$0x3FB5]  }
0x2d: {  	s3 =	simm.s32 $0x108;
	s8 =	sld [smem:$0x3FB6]  }
0x2e: {  	s3 =	simm.s32 @!p0 $0x1082;
	s9 =	sld [smem:$0x3FB7]  }
0x2f: {  	lr =	sadd.s32 s0, s3;
	s0 =	sld [smem:$0x3FAE]  }
0x30: {  	s3 =	sld [smem:$0x3FB1]  }
0x31: {  	[smem:$0x3FBA] =	sst s10  }
0x32: {  	s10 =	sld [smem:$0x3FB8];
	_ =	sdelay $0x3  }
0x33: {  	p0 =	seq.s32 s10, $0x1;
	s10 =	sld [smem:$0x3FBA];
	_ =	sdelay $0x3  }
0x34: {  	[smem:$0x3FBA] =	sst s10  }
0x35: {  	s10 =	sld [smem:$0x3FB9];
	_ =	sdelay $0x3  }
0x36: {  	p1 =	seq.s32 s10, $0x1;
	s10 =	sld [smem:$0x3FBA];
	_ =	sdelay $0x3  }
0x37: {  	[smem:$0x3FBA] =	sst s10  }
0x38: {  	s10 =	sld [smem:$0x3FBB]  }
0x39: {  	_ = 	snop;
	(pc) =	sbr.ind lr, $3  }
0x3a: {  	_ = 	snop  }
0x3b: {  	_ = 	snop  }
0x3c: {  	p2 =	seq.s32 s10, $0x1;
	s10 =	sld [smem:$0x3FBA]  }
0x3d: {  	_ =	shalt  }
0x3e: {  	_ =	shalt  }
0x3f: {  	_ =	shalt  }
0x40: {  	_ =	shalt  }
0x41: {  	_ =	shalt  }
0x42: {  	_ =	shalt  }
0x43: {  	_ =	shalt  }
0x44: {  	_ =	shalt  }
0x45: {  	_ =	shalt  }
0x46: {  	_ =	shalt  }
0x47: {  	_ =	shalt  }
0x48: {  	_ =	shalt  }
0x49: {  	_ =	shalt  }
0x4a: {  	_ =	shalt  }
0x4b: {  	_ =	shalt  }
0x4c: {  	_ =	shalt  }
0x4d: {  	_ =	shalt  }
0x4e: {  	_ =	shalt  }
0x4f: {  	_ =	shalt  }
0x50: {  	_ =	shalt  }
0x51: {  	_ =	shalt  }
0x52: {  	_ =	shalt  }
0x53: {  	_ =	shalt  }
0x54: {  	_ =	shalt  }
0x55: {  	_ =	shalt  }
0x56: {  	_ =	shalt  }
0x57: {  	_ =	shalt  }
0x58: {  	_ =	shalt  }
0x59: {  	_ =	shalt  }
0x5a: {  	_ =	shalt  }
0x5b: {  	_ =	shalt  }
0x5c: {  	_ =	shalt  }
0x5d: {  	_ =	shalt  }
0x5e: {  	_ =	shalt  }
0x5f: {  	_ =	shalt  }
0x60: {  	_ =	shalt  }
0x61: {  	_ =	shalt  }
0x62: {  	_ =	shalt  }
0x63: {  	_ =	shalt  }
0x64: {  	_ =	shalt  }
0x65: {  	_ =	shalt  }
0x66: {  	_ =	shalt  }
0x67: {  	_ =	shalt  }
0x68: {  	_ =	shalt  }
0x69: {  	_ =	shalt  }
0x6a: {  	_ =	shalt  }
0x6b: {  	_ =	shalt  }
0x6c: {  	_ =	shalt  }
0x6d: {  	_ =	shalt  }
0x6e: {  	_ =	shalt  }
0x6f: {  	_ =	shalt  }
0x70: {  	_ =	shalt  }
0x71: {  	_ =	shalt  }
0x72: {  	_ =	shalt  }
0x73: {  	_ =	shalt  }
0x74: {  	_ =	shalt  }
0x75: {  	_ =	shalt  }
0x76: {  	_ =	shalt  }
0x77: {  	_ =	shalt  }
0x78: {  	_ =	shalt  }
0x79: {  	_ =	shalt  }
0x7a: {  	_ =	shalt  }
0x7b: {  	_ =	shalt  }
0x7c: {  	_ =	shalt  }
0x7d: {  	_ =	shalt  }
0x7e: {  	_ =	shalt  }
0x7f: {  	_ =	shalt  }
0x80: {  	_ =	shalt  }
0x81: {  	_ =	shalt  }
0x82: {  	_ =	shalt  }
0x83: {  	_ =	shalt  }
0x84: {  	_ =	shalt  }
0x85: {  	_ =	shalt  }
0x86: {  	_ =	shalt  }
0x87: {  	_ =	shalt  }
.Lfunc_end0:
.L_simem_size_0:
called_computation_lowered:
.L_overlay_start_0:
0x88: {  	s2 =	sld [smem:$0x3FD9]  }
0x89: {  	s3 =	sld [smem:$0x3FFE];
	_ =	sdelay $0x1  }
0x8a: {  	s1 =	srdreg.scid  }
0x8b: {  	s0 =	sand.u32 $0x1, s1  }
0x8c: {  	s18 =	sshll.u32 s0, $0xA;
	s2 =	sadd.s32 s3, s2  }
0x8d: {  	s2 =	sadd.s32 s2, s18  }
0x8e: {  	[smem:$0x3FC6] =	sst s2  }
0x8f: {  	_ = 	snop  }
0x90: {  	s2 =	sld [smem:$0x3FC9]  }
0x91: {  	s19 =	sld [smem:$0x3FC8]  }
0x92: {  	s4 =	sld [smem:$0x3FD0];
	(tm) =	ssettm $0x1  }
0x93: {  	s5 =	sld [smem:$0x3FFB];
	_ =	sdelay $0x3  }
0x94: {  	_ =	strace s5  }
0x95: {  	s5 =	sld [smem:$0x3FFC];
	_ =	sdelay $0x3  }
0x96: {  	_ =	strace s5  }
0x97: {  	s5 =	sld [smem:$0x3FFD];
	_ =	sdelay $0x3  }
0x98: {  	_ =	strace s5  }
0x99: {  	_ =	strace $0x8FFFFFFF  }
0x9a: {  	s20 =	sld [smem:$0x3FDB];
	_ =	sdelay $0x1  }
0x9b: {  	s6 =	simm.s32 $_scs_section_size  }
0x9c: {  	s7 =	simm.s32 $_size__tile_overlayer_lowered;
	s8 =	simm.s32 $_tile_overlayer_lowered  }
0x9d: {  	s23 =	simm.s32 $0x1BFF;
	s22 =	sshll.u32 s8, $0x1;
	s5 =	sadd.s32 s6, s20  }
0x9e: {  	s9 =	simm.s32 $0x0;
	s21 =	sshll.u32 s7, $0x1;
	s7 =	sadd.s32 s22, s5  }
0x9f: {  	[timem:s9], [sflag:s23] =	dma.local [hbm:s7], s21  }
0xa0: {  	_ =	swait.ge [sflag:s23], s21  }
0xa1: {  	s6 =	ssub.s32 $0x0, s21;
	[sflag:s23] =	ssyncset.done $0x0  }
0xa2: {  	[sflag:s23] =	ssyncadd.s32 s6;
	_ =	sdelay $0x1  }
0xa3: {  	s24 =	simm.s32 $0x1B8B  }
0xa4: {  	_ =	swait.ge [sflag:s24], $0x1  }
0xa5: {  	[sflag:s24] =	ssyncset.done $0x0  }
0xa6: {  	s25 =	simm.s32 $0x1B8E;
	[sflag:s24] =	ssyncadd.s32 $0xFFFFFFFF  }
0xa7: {  	s26 =	simm.s32 $execute0_lowered;
	[smem:$0x3FD2] =	sst s25  }
0xa8: {  	s6 =	sshll.u32 s26, $0x1;
	_ =	strace $0x80000046;
	[dreg:$0x1] =	wrdreg $0xFFFFFFFF  }
0xa9: {  	s28 =	simm.s32 $_size_execute0_lowered;
	s5 =	sadd.s32 s5, s6;
	[dreg:$0x0] =	wrdreg $0x0  }
0xaa: {  	s6 =	sshll.u32 s28, $0x1;
	[dreg:$0x2] =	wrdreg s5  }
0xab: {  	[dreg:$0x3] =	wrdreg s6  }
0xac: {  	[dreg:$0x4] =	wrdreg $0xC0  }
0xad: {  	_ =	task [dreg:s9], $0x5FFFF  }
0xae: {  	[dreg:$0x1] =	wrdreg $0xFFFFFFFF  }
0xaf: {  	[dreg:$0x0] =	wrdreg $0x60  }
0xb0: {  	[dreg:$0x2] =	wrdreg s2  }
0xb1: {  	[dreg:$0x3] =	wrdreg s19  }
0xb2: {  	[dreg:$0x4] =	wrdreg s4  }
0xb3: {  	[dreg:$0x5] =	wrdreg $0x9  }
0xb4: {  	_ =	task.clear_ibuf [dreg:s9], $0x6FFFF;
	_ =	strace $0x90000046  }
0xb5: {  	s29 =	simm.s32 $0x9;
	_ =	strace $0x80000048  }
0xb6: {  	_ =	swait.ge [sflag:s29], $0x1  }
0xb7: {  	[sflag:s29] =	ssyncadd.s32 $0xFFFFFFFF  }
0xb8: {  	_ =	strace $0x90000048  }
0xb9: {  	_ =	sfence  }
0xba: {  	s30 =	sld [smem:$0x0];
	_ =	sdelay $0x2  }
0xbb: {  	s31 =	sshll.u32 s1, $0xD;
	s1 =	sshrl.u32 s1, $0x2  }
0xbc: {  	s3 =	sand.u32 $0x4000, s31;
	s1 =	sadd.s32 s1, s30  }
0xbd: {  	s0 =	sor.u32 s3, s0;
	s1 =	sshll.u32 s1, $0x11  }
0xbe: {  	s0 =	sor.u32 s1, s0  }
0xbf: {  	s0 =	sadd.s32 $0x8F2B, s0  }
0xc0: {  	[sflag:s0] =	ssyncadd.remote.s32 $0x1  }
0xc1: {  	_ =	sfence.sel $0xFFFF  }
0xc2: {  	[dreg:$0x0] =	wrdreg $0xFFFFFFFF;
	(pc) =	sbr.abs _section_cstart, $3  }
0xc3: {  	[dreg:$0x1] =	wrdreg $0xFFFFFFFF  }
0xc4: {  	_ =	task.clear_ibuf [dreg:s9], $0x2FFFF;
	_ =	strace $0x9FFFFFFF  }
0xc5: {  	(tm) =	ssettm $0x7FFFFFFF  }
tec
execute0_lowered:
.L_overlay_start_1:
0x0: {  	(tag) =	ssettag $0x1  }
0x1: {  	s0 =	srdreg.scid;
	s4 =	rddreg [dreg:$0x0]  }
0x2: {  	s8 =	stileid.u32;
	s2 =	rddreg [dreg:$0x1]  }
0x3: {  	s10 =	rddreg [dreg:$0x2];
	s3 =	simm.s32 $0x0;
	s13 =	simm.s32 $0x7  }
0x4: {  	s14 =	simm.s32 $0x80;
	s15 =	simm.s32 $0x6400;
	s16 =	simm.s32 $0xA400  }
0x5: {  	s17 =	simm.s32 $0x1;
	s19 =	simm.s32 $0xE400;
	s21 =	simm.s32 $0x12400  }
0x6: {  	s22 =	simm.s32 $0x2;
	s24 =	simm.s32 $0x16400;
	s26 =	simm.s32 $0x1A400  }
0x7: {  	s0 =	sand.u32 $0x1, s0;
	s1 =	sshll.u32 s8, $0x1;
	s8 =	smul.u32 $0x190, s8  }
0x8: {  	s1 =	sor.u32 s0, s1;
	s7 =	ssub.s32 $0x2, s0;
	s0 =	smul.u32 $0xC8, s0  }
0x9: {  	s28 =	simm.s32 $0x3;
	s29 =	simm.s32 $0x4;
	s5 =	smul.u32 $0xC80, s1  }
0xa: {  	s30 =	simm.s32 $0x5;
	s31 =	simm.s32 $0x6;
	s6 =	smul.u32 $0x64000, s1  }
0xb: {  	[smem:$0x7FF] =	sst s3;
	s1 =	smul.u32 $0x320000, s1;
	s9 =	sshrl.u32 s7, $0x1  }
0xc: {  	s18 =	simm.s32 $0x0;
	_ =	strace $0x80000047;
	s9 =	ssub.s32 s7, s9  }
0xd: {  	s0 =	sadd.s32 s0, s8;
	s4 =	sadd.s32 s4, s5;
	s1 =	sshrl.u32 s1, $0x3  }
0xe: {  	s5 =	sadd.s32 s10, s6;
	s0 =	sshll.u32 s0, $0xB;
	s9 =	smax.u32 s9, $0x1  }
0xf: {  	[dreg:$0x4] =	wrdreg s4;
	s1 =	sadd.s32 s10, s1;
	s6 =	sadd.s32 $0x1000, s5  }
0x10: {  	s0 =	sadd.s32 s0, s10;
	s7 =	sadd.s32 $0x62000, s1;
	s8 =	sadd.s32 $0x63000, s1  }
0x11: {  	s10 =	sadd.s32 $0x2000, s0;
	s11 =	sadd.s32 $0x4000, s0;
	s12 =	sadd.s32 $0x3000, s0  }
.LBB2_1:
0x12: {  	s0 =	rddreg [dreg:$0x4]  }
0x13: {  	[tilespmem:s3], [sflag:$0x7] =	stream.linear.gather [hbm4b:s0+s3], $0x6400, $0x38;
	[tilespmem:$0x1E400] =	vst v63  }
0x14: {  	_ =	swait.ge [sflag:s13], $0x6400  }
0x15: {  	[sflag:s13] =	ssyncset.done $0x0  }
0x16: {  	[sflag:s13] =	ssyncadd.s32 $0xFFFF9C00  }
0x17: {  	[tilespmem:s15], [sflag:$0x1] =	stream.indirect.gather [hbm4b:s2+s14], $0x80, s3, s14, $0xb8;
	[tilespmem:$0x1E400] =	vst v63  }
0x18: {  	_ = 	snop  }
0x19: {  	[tilespmem:s16], [sflag:$0x1] =	stream.indirect.gather [hbm4b:s2+s14], $0x80, s14, s14, $0xb8;
	[tilespmem:$0x1E400] =	vst v63  }
0x1a: {  	_ =	swait.ge [sflag:s17], $0x4000  }
0x1b: {  	[sflag:s17] =	ssyncset.done $0x0  }
0x1c: {  	[sflag:s17] =	ssyncadd.s32 $0xFFFFC000  }
0x1d: {  	_ =	swait.ge [sflag:s17], $0x4000  }
0x1e: {  	[sflag:s17] =	ssyncset.done $0x0  }
0x1f: {  	[sflag:s17] =	ssyncadd.s32 $0xFFFFC000  }
0x20: {  	[hbm4b:s5+s3] =	stream.linear.scatter [tilespmem:s15], [sflag:$0x4], $0x8000, $0x38;
	[tilespmem:$0x1E400] =	vst v63  }
0x21: {  	s4 =	simm.s32 $0x100  }
0x22: {  	[tilespmem:s19], [sflag:$0x2] =	stream.indirect.gather [hbm4b:s2+s14], $0x80, s4, s14, $0xb8;
	[tilespmem:$0x1E400] =	vst v63  }
0x23: {  	s20 =	simm.s32 $0x180  }
0x24: {  	[tilespmem:s21], [sflag:$0x2] =	stream.indirect.gather [hbm4b:s2+s14], $0x80, s20, s14, $0xb8;
	[tilespmem:$0x1E400] =	vst v63  }
0x25: {  	_ =	swait.ge [sflag:s22], $0x4000  }
0x26: {  	[sflag:s22] =	ssyncset.done $0x0  }
0x27: {  	[sflag:s22] =	ssyncadd.s32 $0xFFFFC000  }
0x28: {  	_ =	swait.ge [sflag:s22], $0x4000  }
0x29: {  	[sflag:s22] =	ssyncset.done $0x0  }
0x2a: {  	[sflag:s22] =	ssyncadd.s32 $0xFFFFC000  }
0x2b: {  	[hbm4b:s6+s3] =	stream.linear.scatter [tilespmem:s19], [sflag:$0x5], $0x8000, $0x38;
	[tilespmem:$0x1E400] =	vst v63  }
0x2c: {  	s23 =	simm.s32 $0x200  }
0x2d: {  	[tilespmem:s24], [sflag:$0x3] =	stream.indirect.gather [hbm4b:s2+s14], $0x80, s23, s14, $0xb8;
	[tilespmem:$0x1E400] =	vst v63  }
0x2e: {  	s25 =	simm.s32 $0x280  }
0x2f: {  	[tilespmem:s26], [sflag:$0x3] =	stream.indirect.gather [hbm4b:s2+s14], $0x80, s25, s14, $0xb8;
	[tilespmem:$0x1E400] =	vst v63  }
0x30: {  	_ =	swait.ge [sflag:s28], $0x4000  }
0x31: {  	[sflag:s28] =	ssyncset.done $0x0  }
0x32: {  	[sflag:s28] =	ssyncadd.s32 $0xFFFFC000  }
0x33: {  	_ =	swait.ge [sflag:s28], $0x4000  }
0x34: {  	[sflag:s28] =	ssyncset.done $0x0  }
0x35: {  	[sflag:s28] =	ssyncadd.s32 $0xFFFFC000  }
0x36: {  	[hbm4b:s10+s3] =	stream.linear.scatter [tilespmem:s24], [sflag:$0x6], $0x8000, $0x38;
	[tilespmem:$0x1E400] =	vst v63  }
0x37: {  	_ =	swait.ge [sflag:s29], $0x8000  }
0x38: {  	[sflag:s29] =	ssyncset.done $0x0  }
0x39: {  	s1 =	simm.s32 $0x300;
	[sflag:s29] =	ssyncadd.s32 $0xFFFF8000  }
0x3a: {  	[tilespmem:s15], [sflag:$0x1] =	stream.indirect.gather [hbm4b:s2+s14], $0x80, s1, s14, $0xb8;
	[tilespmem:$0x1E400] =	vst v63  }
0x3b: {  	s4 =	simm.s32 $0x380  }
0x3c: {  	[tilespmem:s16], [sflag:$0x1] =	stream.indirect.gather [hbm4b:s2+s14], $0x80, s4, s14, $0xb8;
	[tilespmem:$0x1E400] =	vst v63  }
0x3d: {  	_ =	swait.ge [sflag:s17], $0x4000  }
0x3e: {  	[sflag:s17] =	ssyncset.done $0x0  }
0x3f: {  	[sflag:s17] =	ssyncadd.s32 $0xFFFFC000  }
0x40: {  	_ =	swait.ge [sflag:s17], $0x4000  }
0x41: {  	[sflag:s17] =	ssyncset.done $0x0  }
0x42: {  	[sflag:s17] =	ssyncadd.s32 $0xFFFFC000  }
0x43: {  	[hbm4b:s12+s3] =	stream.linear.scatter [tilespmem:s15], [sflag:$0x4], $0x8000, $0x38;
	[tilespmem:$0x1E400] =	vst v63  }
0x44: {  	_ =	swait.ge [sflag:s30], $0x8000  }
0x45: {  	[sflag:s30] =	ssyncset.done $0x0  }
0x46: {  	s20 =	simm.s32 $0x400;
	[sflag:s30] =	ssyncadd.s32 $0xFFFF8000  }
0x47: {  	[tilespmem:s19], [sflag:$0x2] =	stream.indirect.gather [hbm4b:s2+s14], $0x80, s20, s14, $0xb8;
	[tilespmem:$0x1E400] =	vst v63  }
0x48: {  	s23 =	simm.s32 $0x480  }
0x49: {  	[tilespmem:s21], [sflag:$0x2] =	stream.indirect.gather [hbm4b:s2+s14], $0x80, s23, s14, $0xb8;
	[tilespmem:$0x1E400] =	vst v63  }
0x4a: {  	_ =	swait.ge [sflag:s22], $0x4000  }
0x4b: {  	[sflag:s22] =	ssyncset.done $0x0  }
0x4c: {  	[sflag:s22] =	ssyncadd.s32 $0xFFFFC000  }
0x4d: {  	_ =	swait.ge [sflag:s22], $0x4000  }
0x4e: {  	[sflag:s22] =	ssyncset.done $0x0  }
0x4f: {  	[sflag:s22] =	ssyncadd.s32 $0xFFFFC000  }
0x50: {  	[hbm4b:s11+s3] =	stream.linear.scatter [tilespmem:s19], [sflag:$0x5], $0x8000, $0x38;
	[tilespmem:$0x1E400] =	vst v63  }
0x51: {  	_ =	swait.ge [sflag:s31], $0x8000  }
0x52: {  	s0 =	simm.s32 $0x580;
	[sflag:s31] =	ssyncset.done $0x0  }
0x53: {  	s25 =	simm.s32 $0x500;
	s1 =	sadd.s32 $0x3000, s11;
	[sflag:s31] =	ssyncadd.s32 $0xFFFF8000  }
0x54: {  	[tilespmem:s24], [sflag:$0x3] =	stream.indirect.gather [hbm4b:s2+s14], $0x80, s25, s14, $0xb8;
	[tilespmem:$0x1E400] =	vst v63  }
0x55: {  	s20 =	simm.s32 $0xC00;
	s23 =	sadd.s32 $0x3000, s12;
	s25 =	sadd.s32 $0x3000, s10  }
.LBB2_2:
0x56: {  	[tilespmem:s26], [sflag:$0x3] =	stream.indirect.gather [hbm4b:s2+s14], $0x80, s0, s14, $0xb8;
	[tilespmem:$0x1E400] =	vst v63  }
0x57: {  	s0 =	smov.u32 s20  }
0x58: {  	p0 =	sne.s32 s20, $0x17400;
	s20 =	sadd.s32 $0xC00, s20;
	_ =	swait.ge [sflag:s28], $0x4000  }
0x59: {  	[sflag:s28] =	ssyncset.done $0x0  }
0x5a: {  	[sflag:s28] =	ssyncadd.s32 $0xFFFFC000  }
0x5b: {  	_ =	swait.ge [sflag:s28], $0x4000  }
0x5c: {  	[sflag:s28] =	ssyncset.done $0x0  }
0x5d: {  	[sflag:s28] =	ssyncadd.s32 $0xFFFFC000  }
0x5e: {  	[hbm4b:s25+s3] =	stream.linear.scatter [tilespmem:s24], [sflag:$0x6], $0x8000, $0x38;
	[tilespmem:$0x1E400] =	vst v63  }
0x5f: {  	_ =	swait.ge [sflag:s29], $0x8000  }
0x60: {  	s0 =	sshra.s32 s0, $0x2;
	[sflag:s29] =	ssyncset.done $0x0  }
0x61: {  	s4 =	sadd.s32 $0x300, s0;
	[sflag:s29] =	ssyncadd.s32 $0xFFFF8000  }
0x62: {  	[tilespmem:s15], [sflag:$0x1] =	stream.indirect.gather [hbm4b:s2+s14], $0x80, s4, s14, $0xb8;
	[tilespmem:$0x1E400] =	vst v63  }
0x63: {  	s4 =	sadd.s32 $0x380, s0  }
0x64: {  	[tilespmem:s16], [sflag:$0x1] =	stream.indirect.gather [hbm4b:s2+s14], $0x80, s4, s14, $0xb8;
	[tilespmem:$0x1E400] =	vst v63  }
0x65: {  	_ =	swait.ge [sflag:s17], $0x4000  }
0x66: {  	[sflag:s17] =	ssyncset.done $0x0  }
0x67: {  	[sflag:s17] =	ssyncadd.s32 $0xFFFFC000  }
0x68: {  	_ =	swait.ge [sflag:s17], $0x4000  }
0x69: {  	[sflag:s17] =	ssyncset.done $0x0  }
0x6a: {  	[sflag:s17] =	ssyncadd.s32 $0xFFFFC000  }
0x6b: {  	[hbm4b:s23+s3] =	stream.linear.scatter [tilespmem:s15], [sflag:$0x4], $0x8000, $0x38;
	[tilespmem:$0x1E400] =	vst v63  }
0x6c: {  	_ =	swait.ge [sflag:s30], $0x8000  }
0x6d: {  	[sflag:s30] =	ssyncset.done $0x0  }
0x6e: {  	s4 =	sadd.s32 $0x400, s0;
	[sflag:s30] =	ssyncadd.s32 $0xFFFF8000  }
0x6f: {  	[tilespmem:s19], [sflag:$0x2] =	stream.indirect.gather [hbm4b:s2+s14], $0x80, s4, s14, $0xb8;
	[tilespmem:$0x1E400] =	vst v63  }
0x70: {  	s4 =	sadd.s32 $0x480, s0  }
0x71: {  	[tilespmem:s21], [sflag:$0x2] =	stream.indirect.gather [hbm4b:s2+s14], $0x80, s4, s14, $0xb8;
	[tilespmem:$0x1E400] =	vst v63  }
0x72: {  	_ =	swait.ge [sflag:s22], $0x4000  }
0x73: {  	[sflag:s22] =	ssyncset.done $0x0  }
0x74: {  	[sflag:s22] =	ssyncadd.s32 $0xFFFFC000  }
0x75: {  	_ =	swait.ge [sflag:s22], $0x4000  }
0x76: {  	[sflag:s22] =	ssyncset.done $0x0  }
0x77: {  	[sflag:s22] =	ssyncadd.s32 $0xFFFFC000  }
0x78: {  	[hbm4b:s1+s3] =	stream.linear.scatter [tilespmem:s19], [sflag:$0x5], $0x8000, $0x38;
	[tilespmem:$0x1E400] =	vst v63  }
.Ltmp0:
0x79: {  	_ =	swait.ge [sflag:s31], $0x8000;
	(pc) =	sbr.rel @p0 .LBB2_2-.Ltmp0, $4  }
0x7a: {  	[sflag:s31] =	ssyncset.done $0x0  }
0x7b: {  	s23 =	sadd.s32 $0x3000, s23;
	s4 =	sadd.s32 $0x500, s0;
	[sflag:s31] =	ssyncadd.s32 $0xFFFF8000  }
0x7c: {  	[tilespmem:s24], [sflag:$0x3] =	stream.indirect.gather [hbm4b:s2+s14], $0x80, s4, s14, $0xb8;
	[tilespmem:$0x1E400] =	vst v63  }
0x7d: {  	s25 =	sadd.s32 $0x3000, s25;
	s0 =	sadd.s32 $0x580, s0;
	s1 =	sadd.s32 $0x3000, s1  }
0x7e: {  	[tilespmem:s26], [sflag:$0x3] =	stream.indirect.gather [hbm4b:s2+s14], $0x80, s0, s14, $0xb8;
	[tilespmem:$0x1E400] =	vst v63  }
0x7f: {  	_ =	swait.ge [sflag:s28], $0x4000  }
0x80: {  	[sflag:s28] =	ssyncset.done $0x0  }
0x81: {  	[sflag:s28] =	ssyncadd.s32 $0xFFFFC000  }
0x82: {  	_ =	swait.ge [sflag:s28], $0x4000  }
0x83: {  	[sflag:s28] =	ssyncset.done $0x0  }
0x84: {  	[sflag:s28] =	ssyncadd.s32 $0xFFFFC000  }
0x85: {  	[hbm4b:s7+s3] =	stream.linear.scatter [tilespmem:s24], [sflag:$0x6], $0x8000, $0x38;
	[tilespmem:$0x1E400] =	vst v63  }
0x86: {  	_ =	swait.ge [sflag:s29], $0x8000  }
0x87: {  	[sflag:s29] =	ssyncset.done $0x0  }
0x88: {  	s23 =	simm.s32 $0x6300;
	[sflag:s29] =	ssyncadd.s32 $0xFFFF8000  }
0x89: {  	[tilespmem:s15], [sflag:$0x1] =	stream.indirect.gather [hbm4b:s2+s14], $0x80, s23, s14, $0xb8;
	[tilespmem:$0x1E400] =	vst v63  }
0x8a: {  	s25 =	simm.s32 $0x6380  }
0x8b: {  	[tilespmem:s16], [sflag:$0x1] =	stream.indirect.gather [hbm4b:s2+s14], $0x80, s25, s14, $0xb8;
	[tilespmem:$0x1E400] =	vst v63  }
0x8c: {  	_ =	swait.ge [sflag:s17], $0x4000  }
0x8d: {  	[sflag:s17] =	ssyncset.done $0x0  }
0x8e: {  	[sflag:s17] =	ssyncadd.s32 $0xFFFFC000  }
0x8f: {  	_ =	swait.ge [sflag:s17], $0x4000  }
0x90: {  	[sflag:s17] =	ssyncset.done $0x0  }
0x91: {  	[sflag:s17] =	ssyncadd.s32 $0xFFFFC000  }
0x92: {  	[hbm4b:s8+s3] =	stream.linear.scatter [tilespmem:s15], [sflag:$0x4], $0x8000, $0x38;
	[tilespmem:$0x1E400] =	vst v63  }
0x93: {  	_ =	swait.ge [sflag:s30], $0x8000  }
0x94: {  	[sflag:s30] =	ssyncset.done $0x0  }
0x95: {  	s18 =	sadd.s32 $0x1, s18;
	[sflag:s30] =	ssyncadd.s32 $0xFFFF8000  }
0x96: {  	p0 =	sne.s32 s18, s9;
	_ =	swait.ge [sflag:s31], $0x8000  }
.Ltmp1:
0x97: {  	[sflag:s31] =	ssyncset.done $0x0;
	(pc) =	sbr.rel @p0 .LBB2_1-.Ltmp1, $4  }
0x98: {  	[sflag:s31] =	ssyncadd.s32 $0xFFFF8000  }
0x99: {  	_ =	swait.ge [sflag:s29], $0x8000  }
0x9a: {  	[sflag:s29] =	ssyncset.done $0x0  }
0x9b: {  	[sflag:s29] =	ssyncadd.s32 $0xFFFF8000  }
0x9c: {  	_ =	sfence.sel $0x180000  }
0x9d: {  	[bflag:$0x0] =	sbarrier.arrive $0xFFFF  }
0x9e: {  	_ =	strace $0x90000047  }
0x9f: {  	s0 =	stileid.u32;
	[bflag:$0x2] =	sbarrier.arrive $0xFFFF  }
0xa0: {  	p0 =	sne.s32 s0, $0x0;
	s0 =	rddreg [dreg:$0x3]  }
0xa1: {  	s0 =	sadd.s32 @!p0 $0x100000, s0  }
0xa2: {  	[sflag:s0] =	ssyncadd.tile.s32 @!p0 $0x1;
	_ =	shalt  }
.Lfunc_end2:
_tile_overlayer_lowered:
.L_overlay_start_2:
0xa3: {  	(tag) =	ssettag $0x2  }
0xa4: {  	s0 =	rddreg [dreg:$0x0];
	s2 =	stileid.u32  }
0xa5: {  	s1 =	rddreg [dreg:$0x1];
	p0 =	sne.s32 s2, $0x0  }
0xa6: {  	s3 =	rddreg [dreg:$0x2];
	[bflag:$0x3] =	sbarrier.arrive $0xFFFF;
	s2 =	simm.s32 @!p0 $0x1C07  }
0xa7: {  	[timem:s3], [sflag:s2] =	dma.local @!p0 [hbm:s0], s1  }
0xa8: {  	s0 =	simm.s32 @!p0 $0x7  }
0xa9: {  	_ =	swait.ge @!p0 [sflag:s0], s1  }
0xaa: {  	s1 =	ssub.s32 @!p0 $0x0, s1;
	[sflag:s0] =	ssyncset.done @!p0 $0x0  }
0xab: {  	[sflag:s0] =	ssyncadd.s32 @!p0 s1  }
0xac: {  	[bflag:$0x3] =	sbarrier.arrive $0xFFFF  }
0xad: {  	_ =	shalt  }

</sc_bundles>
